<compile_context>
chip_gen: v7x
topology: tpu7x:2x2x1
jax: 0.10.2.dev20260603
libtpu: 0.0.44.dev20260713+nightly
codegen_flags: <defaults>
</compile_context>

<pallas_src>
import functools

import jax
import jax.numpy as jnp
from jax import lax
from jax.experimental import pallas as pl
from jax.experimental.pallas import tpu as pltpu
from jax.experimental.pallas import tpu_sc as plsc

N_NODES = 10000
N_EDGES = 320000
D_FEAT = 128
HIDDEN = 64
OUT = 32

NC = 2
NS = 16
NW = NC * NS
K = 128
NCHUNK = 80
PER_W = K * NCHUNK
E_PAD = NW * PER_W
N_PAD = 10240
ROWS_PER_TILE = N_PAD // NS

_SC_MESH = plsc.VectorSubcoreMesh(core_axis_name="c", subcore_axis_name="s")
_SC_PARAMS = pltpu.CompilerParams(use_tc_tiling_on_sc=False)



def _deg_body(dst_hbm, ones_hbm, zeros_hbm, out_hbm, didx_v, ones_v, acc):
    c = lax.axis_index("c")
    s = lax.axis_index("s")
    wid = c * NS + s
    pltpu.sync_copy(dst_hbm.at[wid], didx_v)
    pltpu.sync_copy(ones_hbm, ones_v)
    row0 = s * ROWS_PER_TILE
    pltpu.sync_copy(zeros_hbm.at[pl.ds(row0, ROWS_PER_TILE)],
                    acc.at[pl.ds(row0, ROWS_PER_TILE)])
    plsc.subcore_barrier()

    def body(j, carry):
        pltpu.sync_copy(ones_v, acc.at[didx_v.at[j]], add=True)
        return carry

    lax.fori_loop(0, NCHUNK, body, 0)
    plsc.subcore_barrier()
    pltpu.sync_copy(acc.at[pl.ds(row0, ROWS_PER_TILE)],
                    out_hbm.at[c, pl.ds(row0, ROWS_PER_TILE)])


_deg_kernel = functools.partial(
    pl.kernel,
    out_type=jax.ShapeDtypeStruct((NC, N_PAD, 16), jnp.float32),
    mesh=_SC_MESH,
    compiler_params=_SC_PARAMS,
    scratch_types=[
        pltpu.VMEM((NCHUNK, K), jnp.int32),
        pltpu.VMEM((K, 16), jnp.float32),
        pltpu.VMEM_SHARED((N_PAD, 16), jnp.float32),
    ],
)(_deg_body)



def _agg_body(h_hbm, src_hbm, dst_hbm, zeros_hbm, out_hbm,
              sidx_v, didx_v, rows0, rows1, rows2, sem0, sem1, sem2, acc):
    c = lax.axis_index("c")
    s = lax.axis_index("s")
    wid = c * NS + s
    pltpu.sync_copy(src_hbm.at[wid], sidx_v)
    pltpu.sync_copy(dst_hbm.at[wid], didx_v)
    base = s * ROWS_PER_TILE
    pltpu.sync_copy(zeros_hbm.at[pl.ds(base, ROWS_PER_TILE)],
                    acc.at[pl.ds(base, ROWS_PER_TILE)])
    plsc.subcore_barrier()

    bufs = (rows0, rows1, rows2)
    sems = (sem0, sem1, sem2)
    pltpu.async_copy(h_hbm.at[sidx_v.at[0]], rows0, sem0)
    pltpu.async_copy(h_hbm.at[sidx_v.at[1]], rows1, sem1)

    def body(i, carry):
        j = 3 * i
        for b in range(3):
            pltpu.async_copy(h_hbm.at[sidx_v.at[j + b + 2]],
                             bufs[(b + 2) % 3], sems[(b + 2) % 3])
            pltpu.make_async_copy(h_hbm.at[sidx_v.at[j + b]],
                                  bufs[b], sems[b]).wait()
            pltpu.sync_copy(bufs[b], acc.at[didx_v.at[j + b]], add=True)
        return carry

    lax.fori_loop(0, (NCHUNK - 2) // 3, body, 0)
    pltpu.make_async_copy(h_hbm.at[sidx_v.at[NCHUNK - 2]], rows0, sem0).wait()
    pltpu.sync_copy(rows0, acc.at[didx_v.at[NCHUNK - 2]], add=True)
    pltpu.make_async_copy(h_hbm.at[sidx_v.at[NCHUNK - 1]], rows1, sem1).wait()
    pltpu.sync_copy(rows1, acc.at[didx_v.at[NCHUNK - 1]], add=True)

    plsc.subcore_barrier()
    pltpu.sync_copy(acc.at[pl.ds(base, ROWS_PER_TILE)],
                    out_hbm.at[c, pl.ds(base, ROWS_PER_TILE)])


_agg_kernel = functools.partial(
    pl.kernel,
    out_type=jax.ShapeDtypeStruct((NC, N_PAD, HIDDEN), jnp.float32),
    mesh=_SC_MESH,
    compiler_params=_SC_PARAMS,
    scratch_types=[
        pltpu.VMEM((NCHUNK, K), jnp.int32),
        pltpu.VMEM((NCHUNK, K), jnp.int32),
        pltpu.VMEM((K, HIDDEN), jnp.float32),
        pltpu.VMEM((K, HIDDEN), jnp.float32),
        pltpu.VMEM((K, HIDDEN), jnp.float32),
        pltpu.SemaphoreType.DMA,
        pltpu.SemaphoreType.DMA,
        pltpu.SemaphoreType.DMA,
        pltpu.VMEM_SHARED((N_PAD, HIDDEN), jnp.float32),
    ],
)(_agg_body)


_BLK = 1000


def _mm_body(x_ref, w_ref, out_ref):
    out_ref[...] = jnp.dot(x_ref[...], w_ref[...],
                           preferred_element_type=jnp.float32)


def _tc_mm(x, W):
    return pl.pallas_call(
        _mm_body,
        grid=(N_NODES // _BLK,),
        in_specs=[
            pl.BlockSpec((_BLK, D_FEAT), lambda i: (i, 0)),
            pl.BlockSpec((D_FEAT, HIDDEN), lambda i: (0, 0)),
        ],
        out_specs=pl.BlockSpec((_BLK, HIDDEN), lambda i: (i, 0)),
        out_shape=jax.ShapeDtypeStruct((N_NODES, HIDDEN), jnp.float32),
    )(x, W)


def _dinv_of(degp_ref):
    deg = degp_ref[0, :, :1] + degp_ref[1, :, :1] + 1.0
    return lax.rsqrt(deg)


def _tc1_body(degp_ref, xw_ref, h1p_ref):
    h1p_ref[...] = xw_ref[...] * _dinv_of(degp_ref)


def _tc1(degp, xw):
    return pl.pallas_call(
        _tc1_body,
        grid=(N_NODES // _BLK,),
        in_specs=[
            pl.BlockSpec((NC, _BLK, 16), lambda i: (0, i, 0)),
            pl.BlockSpec((_BLK, HIDDEN), lambda i: (i, 0)),
        ],
        out_specs=pl.BlockSpec((_BLK, HIDDEN), lambda i: (i, 0)),
        out_shape=jax.ShapeDtypeStruct((N_NODES, HIDDEN), jnp.float32),
    )(degp, xw)


def _tc2_body(degp_ref, S_ref, hp_ref, b_ref, w_ref, out_ref):
    dinv = _dinv_of(degp_ref)
    h = (S_ref[0] + S_ref[1] + hp_ref[...]) * dinv + b_ref[...]
    h = jnp.maximum(h, 0.0)
    out_ref[...] = jnp.dot(h, w_ref[...],
                           preferred_element_type=jnp.float32) * dinv


def _tc2(degp, S, hp, b, W):
    return pl.pallas_call(
        _tc2_body,
        grid=(N_NODES // _BLK,),
        in_specs=[
            pl.BlockSpec((NC, _BLK, 16), lambda i: (0, i, 0)),
            pl.BlockSpec((NC, _BLK, HIDDEN), lambda i: (0, i, 0)),
            pl.BlockSpec((_BLK, HIDDEN), lambda i: (i, 0)),
            pl.BlockSpec((1, HIDDEN), lambda i: (0, 0)),
            pl.BlockSpec((HIDDEN, HIDDEN), lambda i: (0, 0)),
        ],
        out_specs=pl.BlockSpec((_BLK, HIDDEN), lambda i: (i, 0)),
        out_shape=jax.ShapeDtypeStruct((N_NODES, HIDDEN), jnp.float32),
    )(degp, S, hp, b, W)


def _tc3_body(degp_ref, S_ref, hp_ref, b_ref, wf_ref, bf_ref, out_ref):
    dinv = _dinv_of(degp_ref)
    h = (S_ref[0] + S_ref[1] + hp_ref[...]) * dinv + b_ref[...]
    h = jnp.maximum(h, 0.0)
    out_ref[...] = jnp.dot(h, wf_ref[...],
                           preferred_element_type=jnp.float32) + bf_ref[...]


def _tc3(degp, S, hp, b, Wf, bf):
    return pl.pallas_call(
        _tc3_body,
        grid=(N_NODES // _BLK,),
        in_specs=[
            pl.BlockSpec((NC, _BLK, 16), lambda i: (0, i, 0)),
            pl.BlockSpec((NC, _BLK, HIDDEN), lambda i: (0, i, 0)),
            pl.BlockSpec((_BLK, HIDDEN), lambda i: (i, 0)),
            pl.BlockSpec((1, HIDDEN), lambda i: (0, 0)),
            pl.BlockSpec((HIDDEN, OUT), lambda i: (0, 0)),
            pl.BlockSpec((1, OUT), lambda i: (0, 0)),
        ],
        out_specs=pl.BlockSpec((_BLK, OUT), lambda i: (i, 0)),
        out_shape=jax.ShapeDtypeStruct((N_NODES, OUT), jnp.float32),
    )(degp, S, hp, b, Wf, bf)




def kernel(x, edge_index, edge_attr, W1, b1, W2, b2, Wf, bf):
    del edge_attr
    pad = jnp.arange(E_PAD - N_EDGES, dtype=jnp.int32)
    pad_src = (pad * 131) % N_NODES
    pad_dst = N_NODES + pad % (N_PAD - N_NODES)
    dst = jnp.concatenate([edge_index[1].astype(jnp.int32), pad_dst])
    dst = dst.reshape(NW, NCHUNK, K)
    src = jnp.concatenate([edge_index[0].astype(jnp.int32), pad_src])
    src = src.reshape(NW, NCHUNK, K)
    ones16 = jnp.ones((K, 16), jnp.float32)
    zeros16 = jnp.zeros((N_PAD, 16), jnp.float32)
    zeros64 = jnp.zeros((N_PAD, HIDDEN), jnp.float32)

    degp = _deg_kernel(dst, ones16, zeros16)
    xw = _tc_mm(x, W1)
    h1p = _tc1(degp, xw)
    S1 = _agg_kernel(h1p, src, dst, zeros64)
    h2p = _tc2(degp, S1, h1p, b1.reshape(1, HIDDEN), W2)
    S2 = _agg_kernel(h2p, src, dst, zeros64)
    return _tc3(degp, S2, h2p, b2.reshape(1, HIDDEN), Wf, bf.reshape(1, OUT))

# --- scband reference (transcript-rebuilt; emitter-appended) ---
"""Pipeline reference for scband-ragenhanced-gnn-48430051230177 (READ-ONLY COPY).

The authoritative reference and input builder live on the scoring server;
editing this copy changes nothing except your own understanding.
"""

import jax, jax.numpy as jnp
import numpy as np

N_NODES = 10000
N_EDGES = 320000
D_FEAT = 128
D_EDGE = 16
HIDDEN = 64
OUT = 32


def setup_inputs(seed: int = 0) -> dict:
    key = jax.random.key(seed)
    ks = jax.random.split(key, 10)
    x = jax.random.normal(ks[0], (N_NODES, D_FEAT), dtype=jnp.float32)
    edge_index = jax.random.randint(ks[1], (2, N_EDGES), 0, N_NODES, dtype=jnp.int64)
    edge_attr = jax.random.normal(ks[2], (N_EDGES, D_EDGE), dtype=jnp.float32)
    W1 = jax.random.normal(ks[3], (D_FEAT, HIDDEN), dtype=jnp.float32) / np.sqrt(D_FEAT)
    b1 = jnp.zeros((HIDDEN,), dtype=jnp.float32)
    W2 = jax.random.normal(ks[4], (HIDDEN, HIDDEN), dtype=jnp.float32) / np.sqrt(HIDDEN)
    b2 = jnp.zeros((HIDDEN,), dtype=jnp.float32)
    Wf = jax.random.normal(ks[5], (HIDDEN, OUT), dtype=jnp.float32) / np.sqrt(HIDDEN)
    bf = jnp.zeros((OUT,), dtype=jnp.float32)
    return {"x": x, "edge_index": edge_index, "edge_attr": edge_attr,
            "W1": W1, "b1": b1, "W2": W2, "b2": b2, "Wf": Wf, "bf": bf}


def _gcn_conv(x, src, dst, W, b, num_nodes):
    # PyG GCNConv: linear transform, then sym-normalized aggregation with self-loops, then bias
    h = x @ W
    deg = jnp.zeros((num_nodes,), dtype=h.dtype).at[dst].add(1.0)
    dinv = jax.lax.rsqrt(jnp.maximum(deg, 1.0))
    norm = dinv[src] * dinv[dst]
    msg = h[src] * norm[:, None]
    out = jnp.zeros((num_nodes, h.shape[1]), dtype=h.dtype).at[dst].add(msg)
    return out + b


def reference(x, edge_index, edge_attr, W1, b1, W2, b2, Wf, bf):
    num_nodes = x.shape[0]
    loop = jnp.arange(num_nodes, dtype=edge_index.dtype)
    src = jnp.concatenate([edge_index[0], loop])
    dst = jnp.concatenate([edge_index[1], loop])
    h = jax.nn.relu(_gcn_conv(x, src, dst, W1, b1, num_nodes))
    # dropout p=0.3 is identity in eval mode
    h = jax.nn.relu(_gcn_conv(h, src, dst, W2, b2, num_nodes))
    node_embeddings = h @ Wf + bf
    return node_embeddings

if __name__ == "__main__":
    import jax
    _d = setup_inputs()
    print(jax.jit(kernel)(*tuple(_d.values())))

</pallas_src>

<mosaic_0001>
#map = affine_map<(d0, d1) -> (0, 0)>
#map1 = affine_map<(d0, d1) -> (0, 0, 0)>
module attributes {stable_mosaic.version = 14 : i64} {
  func.func @_agg_body(%arg0: i32, %arg1: i32, %arg2: memref<10000x64xf32, #tpu.memory_space<hbm>>, %arg3: memref<32x80x128xi32, #tpu.memory_space<hbm>>, %arg4: memref<32x80x128xi32, #tpu.memory_space<hbm>>, %arg5: memref<10240x64xf32, #tpu.memory_space<hbm>>, %arg6: memref<2x10240x64xf32, #tpu.memory_space<hbm>>, %arg7: memref<80x128xi32, #tpu.memory_space<vmem>>, %arg8: memref<80x128xi32, #tpu.memory_space<vmem>>, %arg9: memref<128x64xf32, #tpu.memory_space<vmem>>, %arg10: memref<128x64xf32, #tpu.memory_space<vmem>>, %arg11: memref<128x64xf32, #tpu.memory_space<vmem>>, %arg12: memref<!tpu.dma_semaphore, #tpu.memory_space<semaphore_mem>>, %arg13: memref<!tpu.dma_semaphore, #tpu.memory_space<semaphore_mem>>, %arg14: memref<!tpu.dma_semaphore, #tpu.memory_space<semaphore_mem>>, %arg15: memref<10240x64xf32, #tpu.memory_space<vmem_shared>>) attributes {dimension_semantics = [#tpu.dimension_semantics<core_parallel>, #tpu.dimension_semantics<subcore_parallel>], iteration_bounds = array<i64: 2, 16>, scalar_prefetch = 0 : i64, scratch_operands = 9 : i64, tpu.core_type = #tpu.core_type<sc_vector_subcore>, window_params = [{transform_indices = #map}, {transform_indices = #map1}, {transform_indices = #map1}, {transform_indices = #map}, {transform_indices = #map1}]} {
    %mul3A = arith.constant 16 : i32
    %mul3A_0 = arith.muli %arg0, %mul3A : i32
    %add3A = arith.addi %mul3A_0, %arg1 : i32
    "tpu.region"() ({
      %run_scoped3A_36 = tpu.sem_alloc : memref<!tpu.dma_semaphore, #tpu.memory_space<semaphore_mem>>
      %dma_start3A_37 = arith.constant 0 : i32
      %dma_start3A_38 = arith.constant 0 : i32
      %dma_start3A_39 = tpu.memref_slice %arg3[%add3A, %dma_start3A_37, %dma_start3A_38] : memref<32x80x128xi32, #tpu.memory_space<hbm>> -> memref<1x80x128xi32, #tpu.memory_space<hbm>>
      %dma_start3A_40 = tpu.memref_squeeze %dma_start3A_39 : memref<1x80x128xi32, #tpu.memory_space<hbm>> -> memref<80x128xi32, #tpu.memory_space<hbm>>
      %dma_start3A_41 = arith.constant 0 : i32
      %dma_start3A_42 = arith.constant 0 : i32
      %dma_start3A_43 = tpu.memref_slice %arg3[%add3A, %dma_start3A_41, %dma_start3A_42] : memref<32x80x128xi32, #tpu.memory_space<hbm>> -> memref<1x80x128xi32, #tpu.memory_space<hbm>>
      %dma_start3A_44 = tpu.memref_squeeze %dma_start3A_43 : memref<1x80x128xi32, #tpu.memory_space<hbm>> -> memref<80x128xi32, #tpu.memory_space<hbm>>
      tpu.enqueue_dma source(%dma_start3A_44 : memref<80x128xi32, #tpu.memory_space<hbm>>) target(%arg7 : memref<80x128xi32, #tpu.memory_space<vmem>>) target_semaphore(%run_scoped3A_36 : memref<!tpu.dma_semaphore, #tpu.memory_space<semaphore_mem>>)
      %dma_wait3A_45 = arith.constant 0 : i32
      %dma_wait3A_46 = arith.constant 0 : i32
      %dma_wait3A_47 = tpu.memref_slice %arg3[%add3A, %dma_wait3A_45, %dma_wait3A_46] : memref<32x80x128xi32, #tpu.memory_space<hbm>> -> memref<1x80x128xi32, #tpu.memory_space<hbm>>
      %dma_wait3A_48 = tpu.memref_squeeze %dma_wait3A_47 : memref<1x80x128xi32, #tpu.memory_space<hbm>> -> memref<80x128xi32, #tpu.memory_space<hbm>>
      %dma_wait3A_49 = arith.constant 0 : i32
      %dma_wait3A_50 = arith.constant 0 : i32
      %dma_wait3A_51 = tpu.memref_slice %arg3[%add3A, %dma_wait3A_49, %dma_wait3A_50] : memref<32x80x128xi32, #tpu.memory_space<hbm>> -> memref<1x80x128xi32, #tpu.memory_space<hbm>>
      %dma_wait3A_52 = tpu.memref_squeeze %dma_wait3A_51 : memref<1x80x128xi32, #tpu.memory_space<hbm>> -> memref<80x128xi32, #tpu.memory_space<hbm>>
      tpu.wait_dma2 semaphore(%run_scoped3A_36 : memref<!tpu.dma_semaphore, #tpu.memory_space<semaphore_mem>>) src(%dma_wait3A_52 : memref<80x128xi32, #tpu.memory_space<hbm>>) dst(%arg7 : memref<80x128xi32, #tpu.memory_space<vmem>>)
      tpu.yield
    }) : () -> ()
    "tpu.region"() ({
      %run_scoped3A_36 = tpu.sem_alloc : memref<!tpu.dma_semaphore, #tpu.memory_space<semaphore_mem>>
      %dma_start3A_37 = arith.constant 0 : i32
      %dma_start3A_38 = arith.constant 0 : i32
      %dma_start3A_39 = tpu.memref_slice %arg4[%add3A, %dma_start3A_37, %dma_start3A_38] : memref<32x80x128xi32, #tpu.memory_space<hbm>> -> memref<1x80x128xi32, #tpu.memory_space<hbm>>
      %dma_start3A_40 = tpu.memref_squeeze %dma_start3A_39 : memref<1x80x128xi32, #tpu.memory_space<hbm>> -> memref<80x128xi32, #tpu.memory_space<hbm>>
      %dma_start3A_41 = arith.constant 0 : i32
      %dma_start3A_42 = arith.constant 0 : i32
      %dma_start3A_43 = tpu.memref_slice %arg4[%add3A, %dma_start3A_41, %dma_start3A_42] : memref<32x80x128xi32, #tpu.memory_space<hbm>> -> memref<1x80x128xi32, #tpu.memory_space<hbm>>
      %dma_start3A_44 = tpu.memref_squeeze %dma_start3A_43 : memref<1x80x128xi32, #tpu.memory_space<hbm>> -> memref<80x128xi32, #tpu.memory_space<hbm>>
      tpu.enqueue_dma source(%dma_start3A_44 : memref<80x128xi32, #tpu.memory_space<hbm>>) target(%arg8 : memref<80x128xi32, #tpu.memory_space<vmem>>) target_semaphore(%run_scoped3A_36 : memref<!tpu.dma_semaphore, #tpu.memory_space<semaphore_mem>>)
      %dma_wait3A_45 = arith.constant 0 : i32
      %dma_wait3A_46 = arith.constant 0 : i32
      %dma_wait3A_47 = tpu.memref_slice %arg4[%add3A, %dma_wait3A_45, %dma_wait3A_46] : memref<32x80x128xi32, #tpu.memory_space<hbm>> -> memref<1x80x128xi32, #tpu.memory_space<hbm>>
      %dma_wait3A_48 = tpu.memref_squeeze %dma_wait3A_47 : memref<1x80x128xi32, #tpu.memory_space<hbm>> -> memref<80x128xi32, #tpu.memory_space<hbm>>
      %dma_wait3A_49 = arith.constant 0 : i32
      %dma_wait3A_50 = arith.constant 0 : i32
      %dma_wait3A_51 = tpu.memref_slice %arg4[%add3A, %dma_wait3A_49, %dma_wait3A_50] : memref<32x80x128xi32, #tpu.memory_space<hbm>> -> memref<1x80x128xi32, #tpu.memory_space<hbm>>
      %dma_wait3A_52 = tpu.memref_squeeze %dma_wait3A_51 : memref<1x80x128xi32, #tpu.memory_space<hbm>> -> memref<80x128xi32, #tpu.memory_space<hbm>>
      tpu.wait_dma2 semaphore(%run_scoped3A_36 : memref<!tpu.dma_semaphore, #tpu.memory_space<semaphore_mem>>) src(%dma_wait3A_52 : memref<80x128xi32, #tpu.memory_space<hbm>>) dst(%arg8 : memref<80x128xi32, #tpu.memory_space<vmem>>)
      tpu.yield
    }) : () -> ()
    %mul3A_1 = arith.constant 640 : i32
    %mul3A_2 = arith.muli %arg1, %mul3A_1 : i32
    "tpu.region"() ({
      %run_scoped3A_36 = tpu.sem_alloc : memref<!tpu.dma_semaphore, #tpu.memory_space<semaphore_mem>>
      %dma_start3A_37 = arith.constant 0 : i32
      %dma_start3A_38 = tpu.memref_slice %arg15[%mul3A_2, %dma_start3A_37] : memref<10240x64xf32, #tpu.memory_space<vmem_shared>> -> memref<640x64xf32, #tpu.memory_space<vmem_shared>>
      %dma_start3A_39 = arith.constant 0 : i32
      %dma_start3A_40 = tpu.memref_slice %arg5[%mul3A_2, %dma_start3A_39] : memref<10240x64xf32, #tpu.memory_space<hbm>> -> memref<640x64xf32, #tpu.memory_space<hbm>>
      tpu.enqueue_dma source(%dma_start3A_40 : memref<640x64xf32, #tpu.memory_space<hbm>>) target(%dma_start3A_38 : memref<640x64xf32, #tpu.memory_space<vmem_shared>>) target_semaphore(%run_scoped3A_36 : memref<!tpu.dma_semaphore, #tpu.memory_space<semaphore_mem>>)
      %dma_wait3A_41 = arith.constant 0 : i32
      %dma_wait3A_42 = tpu.memref_slice %arg15[%mul3A_2, %dma_wait3A_41] : memref<10240x64xf32, #tpu.memory_space<vmem_shared>> -> memref<640x64xf32, #tpu.memory_space<vmem_shared>>
      %dma_wait3A_43 = arith.constant 0 : i32
      %dma_wait3A_44 = tpu.memref_slice %arg5[%mul3A_2, %dma_wait3A_43] : memref<10240x64xf32, #tpu.memory_space<hbm>> -> memref<640x64xf32, #tpu.memory_space<hbm>>
      tpu.wait_dma2 semaphore(%run_scoped3A_36 : memref<!tpu.dma_semaphore, #tpu.memory_space<semaphore_mem>>) src(%dma_wait3A_44 : memref<640x64xf32, #tpu.memory_space<hbm>>) dst(%dma_wait3A_42 : memref<640x64xf32, #tpu.memory_space<vmem_shared>>)
      tpu.yield
    }) : () -> ()
    %barrier3A = arith.constant 0 : index
    tpu.barrier barrier_id(%barrier3A)
    %dma_start3A = arith.constant 0 : i32
    %dma_start3A_3 = arith.constant 0 : i32
    %dma_start3A_4 = tpu.memref_slice %arg7[%dma_start3A, %dma_start3A_3] : memref<80x128xi32, #tpu.memory_space<vmem>> -> memref<1x128xi32, #tpu.memory_space<vmem>>
    %dma_start3A_5 = tpu.memref_squeeze %dma_start3A_4 : memref<1x128xi32, #tpu.memory_space<vmem>> -> memref<128xi32, #tpu.memory_space<vmem>>
    %dma_start3A_6 = arith.constant 0 : i32
    %dma_start3A_7 = arith.constant 0 : i32
    %dma_start3A_8 = tpu.memref_slice %arg2[%dma_start3A_6, %dma_start3A_7] : memref<10000x64xf32, #tpu.memory_space<hbm>> -> memref<10000x64xf32, #tpu.memory_space<hbm>>
    tpu.enqueue_indirect_dma source(%dma_start3A_8 : memref<10000x64xf32, #tpu.memory_space<hbm>>) target(%arg9 : memref<128x64xf32, #tpu.memory_space<vmem>>) offsets(%dma_start3A_5 : memref<128xi32, #tpu.memory_space<vmem>>) semaphore(%arg12 : memref<!tpu.dma_semaphore, #tpu.memory_space<semaphore_mem>>)
    %dma_start3A_9 = arith.constant 1 : i32
    %dma_start3A_10 = arith.constant 0 : i32
    %dma_start3A_11 = tpu.memref_slice %arg7[%dma_start3A_9, %dma_start3A_10] : memref<80x128xi32, #tpu.memory_space<vmem>> -> memref<1x128xi32, #tpu.memory_space<vmem>>
    %dma_start3A_12 = tpu.memref_squeeze %dma_start3A_11 : memref<1x128xi32, #tpu.memory_space<vmem>> -> memref<128xi32, #tpu.memory_space<vmem>>
    %dma_start3A_13 = arith.constant 0 : i32
    %dma_start3A_14 = arith.constant 0 : i32
    %dma_start3A_15 = tpu.memref_slice %arg2[%dma_start3A_13, %dma_start3A_14] : memref<10000x64xf32, #tpu.memory_space<hbm>> -> memref<10000x64xf32, #tpu.memory_space<hbm>>
    tpu.enqueue_indirect_dma source(%dma_start3A_15 : memref<10000x64xf32, #tpu.memory_space<hbm>>) target(%arg10 : memref<128x64xf32, #tpu.memory_space<vmem>>) offsets(%dma_start3A_12 : memref<128xi32, #tpu.memory_space<vmem>>) semaphore(%arg13 : memref<!tpu.dma_semaphore, #tpu.memory_space<semaphore_mem>>)
    %scan3A = arith.constant 0 : i32
    %scan3A_16 = arith.constant 0 : i32
    %scan3A_17 = arith.constant 26 : i32
    %scan3A_18 = arith.addi %scan3A_16, %scan3A_17 : i32
    %scan3A_19 = arith.constant 1 : i32
    scf.for %scan3A_36 = %scan3A_16 to %scan3A_18 step %scan3A_19  : i32 {
      %mul3A_37 = arith.constant 3 : i32
      %mul3A_38 = arith.muli %mul3A_37, %scan3A_36 : i32
      %add3A_39 = arith.constant 0 : i32
      %add3A_40 = arith.addi %mul3A_38, %add3A_39 : i32
      %add3A_41 = arith.constant 2 : i32
      %add3A_42 = arith.addi %add3A_40, %add3A_41 : i32
      %dma_start3A_43 = arith.constant 0 : i32
      %dma_start3A_44 = tpu.memref_slice %arg7[%add3A_42, %dma_start3A_43] : memref<80x128xi32, #tpu.memory_space<vmem>> -> memref<1x128xi32, #tpu.memory_space<vmem>>
      %dma_start3A_45 = tpu.memref_squeeze %dma_start3A_44 : memref<1x128xi32, #tpu.memory_space<vmem>> -> memref<128xi32, #tpu.memory_space<vmem>>
      %dma_start3A_46 = arith.constant 0 : i32
      %dma_start3A_47 = arith.constant 0 : i32
      %dma_start3A_48 = tpu.memref_slice %arg2[%dma_start3A_46, %dma_start3A_47] : memref<10000x64xf32, #tpu.memory_space<hbm>> -> memref<10000x64xf32, #tpu.memory_space<hbm>>
      tpu.enqueue_indirect_dma source(%dma_start3A_48 : memref<10000x64xf32, #tpu.memory_space<hbm>>) target(%arg11 : memref<128x64xf32, #tpu.memory_space<vmem>>) offsets(%dma_start3A_45 : memref<128xi32, #tpu.memory_space<vmem>>) semaphore(%arg14 : memref<!tpu.dma_semaphore, #tpu.memory_space<semaphore_mem>>)
      %add3A_49 = arith.constant 0 : i32
      %add3A_50 = arith.addi %mul3A_38, %add3A_49 : i32
      %dma_wait3A_51 = arith.constant 0 : i32
      %dma_wait3A_52 = tpu.memref_slice %arg7[%add3A_50, %dma_wait3A_51] : memref<80x128xi32, #tpu.memory_space<vmem>> -> memref<1x128xi32, #tpu.memory_space<vmem>>
      %dma_wait3A_53 = tpu.memref_squeeze %dma_wait3A_52 : memref<1x128xi32, #tpu.memory_space<vmem>> -> memref<128xi32, #tpu.memory_space<vmem>>
      %dma_wait3A_54 = arith.constant 0 : i32
      %dma_wait3A_55 = arith.constant 0 : i32
      %dma_wait3A_56 = tpu.memref_slice %arg2[%dma_wait3A_54, %dma_wait3A_55] : memref<10000x64xf32, #tpu.memory_space<hbm>> -> memref<10000x64xf32, #tpu.memory_space<hbm>>
      tpu.wait_indirect_dma semaphore(%arg12 : memref<!tpu.dma_semaphore, #tpu.memory_space<semaphore_mem>>) src(%dma_wait3A_56 : memref<10000x64xf32, #tpu.memory_space<hbm>>) dst(%arg9 : memref<128x64xf32, #tpu.memory_space<vmem>>)
      %add3A_57 = arith.constant 0 : i32
      %add3A_58 = arith.addi %mul3A_38, %add3A_57 : i32
      "tpu.region"() ({
        %run_scoped3A_99 = tpu.sem_alloc : memref<!tpu.dma_semaphore, #tpu.memory_space<semaphore_mem>>
        %dma_start3A_100 = arith.constant 0 : i32
        %dma_start3A_101 = tpu.memref_slice %arg8[%add3A_58, %dma_start3A_100] : memref<80x128xi32, #tpu.memory_space<vmem>> -> memref<1x128xi32, #tpu.memory_space<vmem>>
        %dma_start3A_102 = tpu.memref_squeeze %dma_start3A_101 : memref<1x128xi32, #tpu.memory_space<vmem>> -> memref<128xi32, #tpu.memory_space<vmem>>
        %dma_start3A_103 = arith.constant 0 : i32
        %dma_start3A_104 = arith.constant 0 : i32
        %dma_start3A_105 = tpu.memref_slice %arg15[%dma_start3A_103, %dma_start3A_104] : memref<10240x64xf32, #tpu.memory_space<vmem_shared>> -> memref<10240x64xf32, #tpu.memory_space<vmem_shared>>
        tpu.enqueue_indirect_dma source(%arg9 : memref<128x64xf32, #tpu.memory_space<vmem>>) target(%dma_start3A_105 : memref<10240x64xf32, #tpu.memory_space<vmem_shared>>) offsets(%dma_start3A_102 : memref<128xi32, #tpu.memory_space<vmem>>) semaphore(%run_scoped3A_99 : memref<!tpu.dma_semaphore, #tpu.memory_space<semaphore_mem>>) {add = true}
        %dma_wait3A_106 = arith.constant 0 : i32
        %dma_wait3A_107 = tpu.memref_slice %arg8[%add3A_58, %dma_wait3A_106] : memref<80x128xi32, #tpu.memory_space<vmem>> -> memref<1x128xi32, #tpu.memory_space<vmem>>
        %dma_wait3A_108 = tpu.memref_squeeze %dma_wait3A_107 : memref<1x128xi32, #tpu.memory_space<vmem>> -> memref<128xi32, #tpu.memory_space<vmem>>
        %dma_wait3A_109 = arith.constant 0 : i32
        %dma_wait3A_110 = arith.constant 0 : i32
        %dma_wait3A_111 = tpu.memref_slice %arg15[%dma_wait3A_109, %dma_wait3A_110] : memref<10240x64xf32, #tpu.memory_space<vmem_shared>> -> memref<10240x64xf32, #tpu.memory_space<vmem_shared>>
        tpu.wait_indirect_dma semaphore(%run_scoped3A_99 : memref<!tpu.dma_semaphore, #tpu.memory_space<semaphore_mem>>) src(%arg9 : memref<128x64xf32, #tpu.memory_space<vmem>>) dst(%dma_wait3A_111 : memref<10240x64xf32, #tpu.memory_space<vmem_shared>>)
        tpu.yield
      }) : () -> ()
      %add3A_59 = arith.constant 1 : i32
      %add3A_60 = arith.addi %mul3A_38, %add3A_59 : i32
      %add3A_61 = arith.constant 2 : i32
      %add3A_62 = arith.addi %add3A_60, %add3A_61 : i32
      %dma_start3A_63 = arith.constant 0 : i32
      %dma_start3A_64 = tpu.memref_slice %arg7[%add3A_62, %dma_start3A_63] : memref<80x128xi32, #tpu.memory_space<vmem>> -> memref<1x128xi32, #tpu.memory_space<vmem>>
      %dma_start3A_65 = tpu.memref_squeeze %dma_start3A_64 : memref<1x128xi32, #tpu.memory_space<vmem>> -> memref<128xi32, #tpu.memory_space<vmem>>
      %dma_start3A_66 = arith.constant 0 : i32
      %dma_start3A_67 = arith.constant 0 : i32
      %dma_start3A_68 = tpu.memref_slice %arg2[%dma_start3A_66, %dma_start3A_67] : memref<10000x64xf32, #tpu.memory_space<hbm>> -> memref<10000x64xf32, #tpu.memory_space<hbm>>
      tpu.enqueue_indirect_dma source(%dma_start3A_68 : memref<10000x64xf32, #tpu.memory_space<hbm>>) target(%arg9 : memref<128x64xf32, #tpu.memory_space<vmem>>) offsets(%dma_start3A_65 : memref<128xi32, #tpu.memory_space<vmem>>) semaphore(%arg12 : memref<!tpu.dma_semaphore, #tpu.memory_space<semaphore_mem>>)
      %add3A_69 = arith.constant 1 : i32
      %add3A_70 = arith.addi %mul3A_38, %add3A_69 : i32
      %dma_wait3A_71 = arith.constant 0 : i32
      %dma_wait3A_72 = tpu.memref_slice %arg7[%add3A_70, %dma_wait3A_71] : memref<80x128xi32, #tpu.memory_space<vmem>> -> memref<1x128xi32, #tpu.memory_space<vmem>>
      %dma_wait3A_73 = tpu.memref_squeeze %dma_wait3A_72 : memref<1x128xi32, #tpu.memory_space<vmem>> -> memref<128xi32, #tpu.memory_space<vmem>>
      %dma_wait3A_74 = arith.constant 0 : i32
      %dma_wait3A_75 = arith.constant 0 : i32
      %dma_wait3A_76 = tpu.memref_slice %arg2[%dma_wait3A_74, %dma_wait3A_75] : memref<10000x64xf32, #tpu.memory_space<hbm>> -> memref<10000x64xf32, #tpu.memory_space<hbm>>
      tpu.wait_indirect_dma semaphore(%arg13 : memref<!tpu.dma_semaphore, #tpu.memory_space<semaphore_mem>>) src(%dma_wait3A_76 : memref<10000x64xf32, #tpu.memory_space<hbm>>) dst(%arg10 : memref<128x64xf32, #tpu.memory_space<vmem>>)
      %add3A_77 = arith.constant 1 : i32
      %add3A_78 = arith.addi %mul3A_38, %add3A_77 : i32
      "tpu.region"() ({
        %run_scoped3A_99 = tpu.sem_alloc : memref<!tpu.dma_semaphore, #tpu.memory_space<semaphore_mem>>
        %dma_start3A_100 = arith.constant 0 : i32
        %dma_start3A_101 = tpu.memref_slice %arg8[%add3A_78, %dma_start3A_100] : memref<80x128xi32, #tpu.memory_space<vmem>> -> memref<1x128xi32, #tpu.memory_space<vmem>>
        %dma_start3A_102 = tpu.memref_squeeze %dma_start3A_101 : memref<1x128xi32, #tpu.memory_space<vmem>> -> memref<128xi32, #tpu.memory_space<vmem>>
        %dma_start3A_103 = arith.constant 0 : i32
        %dma_start3A_104 = arith.constant 0 : i32
        %dma_start3A_105 = tpu.memref_slice %arg15[%dma_start3A_103, %dma_start3A_104] : memref<10240x64xf32, #tpu.memory_space<vmem_shared>> -> memref<10240x64xf32, #tpu.memory_space<vmem_shared>>
        tpu.enqueue_indirect_dma source(%arg10 : memref<128x64xf32, #tpu.memory_space<vmem>>) target(%dma_start3A_105 : memref<10240x64xf32, #tpu.memory_space<vmem_shared>>) offsets(%dma_start3A_102 : memref<128xi32, #tpu.memory_space<vmem>>) semaphore(%run_scoped3A_99 : memref<!tpu.dma_semaphore, #tpu.memory_space<semaphore_mem>>) {add = true}
        %dma_wait3A_106 = arith.constant 0 : i32
        %dma_wait3A_107 = tpu.memref_slice %arg8[%add3A_78, %dma_wait3A_106] : memref<80x128xi32, #tpu.memory_space<vmem>> -> memref<1x128xi32, #tpu.memory_space<vmem>>
        %dma_wait3A_108 = tpu.memref_squeeze %dma_wait3A_107 : memref<1x128xi32, #tpu.memory_space<vmem>> -> memref<128xi32, #tpu.memory_space<vmem>>
        %dma_wait3A_109 = arith.constant 0 : i32
        %dma_wait3A_110 = arith.constant 0 : i32
        %dma_wait3A_111 = tpu.memref_slice %arg15[%dma_wait3A_109, %dma_wait3A_110] : memref<10240x64xf32, #tpu.memory_space<vmem_shared>> -> memref<10240x64xf32, #tpu.memory_space<vmem_shared>>
        tpu.wait_indirect_dma semaphore(%run_scoped3A_99 : memref<!tpu.dma_semaphore, #tpu.memory_space<semaphore_mem>>) src(%arg10 : memref<128x64xf32, #tpu.memory_space<vmem>>) dst(%dma_wait3A_111 : memref<10240x64xf32, #tpu.memory_space<vmem_shared>>)
        tpu.yield
      }) : () -> ()
      %add3A_79 = arith.constant 2 : i32
      %add3A_80 = arith.addi %mul3A_38, %add3A_79 : i32
      %add3A_81 = arith.constant 2 : i32
      %add3A_82 = arith.addi %add3A_80, %add3A_81 : i32
      %dma_start3A_83 = arith.constant 0 : i32
      %dma_start3A_84 = tpu.memref_slice %arg7[%add3A_82, %dma_start3A_83] : memref<80x128xi32, #tpu.memory_space<vmem>> -> memref<1x128xi32, #tpu.memory_space<vmem>>
      %dma_start3A_85 = tpu.memref_squeeze %dma_start3A_84 : memref<1x128xi32, #tpu.memory_space<vmem>> -> memref<128xi32, #tpu.memory_space<vmem>>
      %dma_start3A_86 = arith.constant 0 : i32
      %dma_start3A_87 = arith.constant 0 : i32
      %dma_start3A_88 = tpu.memref_slice %arg2[%dma_start3A_86, %dma_start3A_87] : memref<10000x64xf32, #tpu.memory_space<hbm>> -> memref<10000x64xf32, #tpu.memory_space<hbm>>
      tpu.enqueue_indirect_dma source(%dma_start3A_88 : memref<10000x64xf32, #tpu.memory_space<hbm>>) target(%arg10 : memref<128x64xf32, #tpu.memory_space<vmem>>) offsets(%dma_start3A_85 : memref<128xi32, #tpu.memory_space<vmem>>) semaphore(%arg13 : memref<!tpu.dma_semaphore, #tpu.memory_space<semaphore_mem>>)
      %add3A_89 = arith.constant 2 : i32
      %add3A_90 = arith.addi %mul3A_38, %add3A_89 : i32
      %dma_wait3A_91 = arith.constant 0 : i32
      %dma_wait3A_92 = tpu.memref_slice %arg7[%add3A_90, %dma_wait3A_91] : memref<80x128xi32, #tpu.memory_space<vmem>> -> memref<1x128xi32, #tpu.memory_space<vmem>>
      %dma_wait3A_93 = tpu.memref_squeeze %dma_wait3A_92 : memref<1x128xi32, #tpu.memory_space<vmem>> -> memref<128xi32, #tpu.memory_space<vmem>>
      %dma_wait3A_94 = arith.constant 0 : i32
      %dma_wait3A_95 = arith.constant 0 : i32
      %dma_wait3A_96 = tpu.memref_slice %arg2[%dma_wait3A_94, %dma_wait3A_95] : memref<10000x64xf32, #tpu.memory_space<hbm>> -> memref<10000x64xf32, #tpu.memory_space<hbm>>
      tpu.wait_indirect_dma semaphore(%arg14 : memref<!tpu.dma_semaphore, #tpu.memory_space<semaphore_mem>>) src(%dma_wait3A_96 : memref<10000x64xf32, #tpu.memory_space<hbm>>) dst(%arg11 : memref<128x64xf32, #tpu.memory_space<vmem>>)
      %add3A_97 = arith.constant 2 : i32
      %add3A_98 = arith.addi %mul3A_38, %add3A_97 : i32
      "tpu.region"() ({
        %run_scoped3A_99 = tpu.sem_alloc : memref<!tpu.dma_semaphore, #tpu.memory_space<semaphore_mem>>
        %dma_start3A_100 = arith.constant 0 : i32
        %dma_start3A_101 = tpu.memref_slice %arg8[%add3A_98, %dma_start3A_100] : memref<80x128xi32, #tpu.memory_space<vmem>> -> memref<1x128xi32, #tpu.memory_space<vmem>>
        %dma_start3A_102 = tpu.memref_squeeze %dma_start3A_101 : memref<1x128xi32, #tpu.memory_space<vmem>> -> memref<128xi32, #tpu.memory_space<vmem>>
        %dma_start3A_103 = arith.constant 0 : i32
        %dma_start3A_104 = arith.constant 0 : i32
        %dma_start3A_105 = tpu.memref_slice %arg15[%dma_start3A_103, %dma_start3A_104] : memref<10240x64xf32, #tpu.memory_space<vmem_shared>> -> memref<10240x64xf32, #tpu.memory_space<vmem_shared>>
        tpu.enqueue_indirect_dma source(%arg11 : memref<128x64xf32, #tpu.memory_space<vmem>>) target(%dma_start3A_105 : memref<10240x64xf32, #tpu.memory_space<vmem_shared>>) offsets(%dma_start3A_102 : memref<128xi32, #tpu.memory_space<vmem>>) semaphore(%run_scoped3A_99 : memref<!tpu.dma_semaphore, #tpu.memory_space<semaphore_mem>>) {add = true}
        %dma_wait3A_106 = arith.constant 0 : i32
        %dma_wait3A_107 = tpu.memref_slice %arg8[%add3A_98, %dma_wait3A_106] : memref<80x128xi32, #tpu.memory_space<vmem>> -> memref<1x128xi32, #tpu.memory_space<vmem>>
        %dma_wait3A_108 = tpu.memref_squeeze %dma_wait3A_107 : memref<1x128xi32, #tpu.memory_space<vmem>> -> memref<128xi32, #tpu.memory_space<vmem>>
        %dma_wait3A_109 = arith.constant 0 : i32
        %dma_wait3A_110 = arith.constant 0 : i32
        %dma_wait3A_111 = tpu.memref_slice %arg15[%dma_wait3A_109, %dma_wait3A_110] : memref<10240x64xf32, #tpu.memory_space<vmem_shared>> -> memref<10240x64xf32, #tpu.memory_space<vmem_shared>>
        tpu.wait_indirect_dma semaphore(%run_scoped3A_99 : memref<!tpu.dma_semaphore, #tpu.memory_space<semaphore_mem>>) src(%arg11 : memref<128x64xf32, #tpu.memory_space<vmem>>) dst(%dma_wait3A_111 : memref<10240x64xf32, #tpu.memory_space<vmem_shared>>)
        tpu.yield
      }) : () -> ()
    }
    %scan3A_20 = arith.constant 26 : i32
    %dma_wait3A = arith.constant 78 : i32
    %dma_wait3A_21 = arith.constant 0 : i32
    %dma_wait3A_22 = tpu.memref_slice %arg7[%dma_wait3A, %dma_wait3A_21] : memref<80x128xi32, #tpu.memory_space<vmem>> -> memref<1x128xi32, #tpu.memory_space<vmem>>
    %dma_wait3A_23 = tpu.memref_squeeze %dma_wait3A_22 : memref<1x128xi32, #tpu.memory_space<vmem>> -> memref<128xi32, #tpu.memory_space<vmem>>
    %dma_wait3A_24 = arith.constant 0 : i32
    %dma_wait3A_25 = arith.constant 0 : i32
    %dma_wait3A_26 = tpu.memref_slice %arg2[%dma_wait3A_24, %dma_wait3A_25] : memref<10000x64xf32, #tpu.memory_space<hbm>> -> memref<10000x64xf32, #tpu.memory_space<hbm>>
    tpu.wait_indirect_dma semaphore(%arg12 : memref<!tpu.dma_semaphore, #tpu.memory_space<semaphore_mem>>) src(%dma_wait3A_26 : memref<10000x64xf32, #tpu.memory_space<hbm>>) dst(%arg9 : memref<128x64xf32, #tpu.memory_space<vmem>>)
    %run_scoped3A = arith.constant 78 : i32
    "tpu.region"() ({
      %run_scoped3A_36 = tpu.sem_alloc : memref<!tpu.dma_semaphore, #tpu.memory_space<semaphore_mem>>
      %dma_start3A_37 = arith.constant 0 : i32
      %dma_start3A_38 = tpu.memref_slice %arg8[%run_scoped3A, %dma_start3A_37] : memref<80x128xi32, #tpu.memory_space<vmem>> -> memref<1x128xi32, #tpu.memory_space<vmem>>
      %dma_start3A_39 = tpu.memref_squeeze %dma_start3A_38 : memref<1x128xi32, #tpu.memory_space<vmem>> -> memref<128xi32, #tpu.memory_space<vmem>>
      %dma_start3A_40 = arith.constant 0 : i32
      %dma_start3A_41 = arith.constant 0 : i32
      %dma_start3A_42 = tpu.memref_slice %arg15[%dma_start3A_40, %dma_start3A_41] : memref<10240x64xf32, #tpu.memory_space<vmem_shared>> -> memref<10240x64xf32, #tpu.memory_space<vmem_shared>>
      tpu.enqueue_indirect_dma source(%arg9 : memref<128x64xf32, #tpu.memory_space<vmem>>) target(%dma_start3A_42 : memref<10240x64xf32, #tpu.memory_space<vmem_shared>>) offsets(%dma_start3A_39 : memref<128xi32, #tpu.memory_space<vmem>>) semaphore(%run_scoped3A_36 : memref<!tpu.dma_semaphore, #tpu.memory_space<semaphore_mem>>) {add = true}
      %dma_wait3A_43 = arith.constant 0 : i32
      %dma_wait3A_44 = tpu.memref_slice %arg8[%run_scoped3A, %dma_wait3A_43] : memref<80x128xi32, #tpu.memory_space<vmem>> -> memref<1x128xi32, #tpu.memory_space<vmem>>
      %dma_wait3A_45 = tpu.memref_squeeze %dma_wait3A_44 : memref<1x128xi32, #tpu.memory_space<vmem>> -> memref<128xi32, #tpu.memory_space<vmem>>
      %dma_wait3A_46 = arith.constant 0 : i32
      %dma_wait3A_47 = arith.constant 0 : i32
      %dma_wait3A_48 = tpu.memref_slice %arg15[%dma_wait3A_46, %dma_wait3A_47] : memref<10240x64xf32, #tpu.memory_space<vmem_shared>> -> memref<10240x64xf32, #tpu.memory_space<vmem_shared>>
      tpu.wait_indirect_dma semaphore(%run_scoped3A_36 : memref<!tpu.dma_semaphore, #tpu.memory_space<semaphore_mem>>) src(%arg9 : memref<128x64xf32, #tpu.memory_space<vmem>>) dst(%dma_wait3A_48 : memref<10240x64xf32, #tpu.memory_space<vmem_shared>>)
      tpu.yield
    }) : () -> ()
    %dma_wait3A_27 = arith.constant 79 : i32
    %dma_wait3A_28 = arith.constant 0 : i32
    %dma_wait3A_29 = tpu.memref_slice %arg7[%dma_wait3A_27, %dma_wait3A_28] : memref<80x128xi32, #tpu.memory_space<vmem>> -> memref<1x128xi32, #tpu.memory_space<vmem>>
    %dma_wait3A_30 = tpu.memref_squeeze %dma_wait3A_29 : memref<1x128xi32, #tpu.memory_space<vmem>> -> memref<128xi32, #tpu.memory_space<vmem>>
    %dma_wait3A_31 = arith.constant 0 : i32
    %dma_wait3A_32 = arith.constant 0 : i32
    %dma_wait3A_33 = tpu.memref_slice %arg2[%dma_wait3A_31, %dma_wait3A_32] : memref<10000x64xf32, #tpu.memory_space<hbm>> -> memref<10000x64xf32, #tpu.memory_space<hbm>>
    tpu.wait_indirect_dma semaphore(%arg13 : memref<!tpu.dma_semaphore, #tpu.memory_space<semaphore_mem>>) src(%dma_wait3A_33 : memref<10000x64xf32, #tpu.memory_space<hbm>>) dst(%arg10 : memref<128x64xf32, #tpu.memory_space<vmem>>)
    %run_scoped3A_34 = arith.constant 79 : i32
    "tpu.region"() ({
      %run_scoped3A_36 = tpu.sem_alloc : memref<!tpu.dma_semaphore, #tpu.memory_space<semaphore_mem>>
      %dma_start3A_37 = arith.constant 0 : i32
      %dma_start3A_38 = tpu.memref_slice %arg8[%run_scoped3A_34, %dma_start3A_37] : memref<80x128xi32, #tpu.memory_space<vmem>> -> memref<1x128xi32, #tpu.memory_space<vmem>>
      %dma_start3A_39 = tpu.memref_squeeze %dma_start3A_38 : memref<1x128xi32, #tpu.memory_space<vmem>> -> memref<128xi32, #tpu.memory_space<vmem>>
      %dma_start3A_40 = arith.constant 0 : i32
      %dma_start3A_41 = arith.constant 0 : i32
      %dma_start3A_42 = tpu.memref_slice %arg15[%dma_start3A_40, %dma_start3A_41] : memref<10240x64xf32, #tpu.memory_space<vmem_shared>> -> memref<10240x64xf32, #tpu.memory_space<vmem_shared>>
      tpu.enqueue_indirect_dma source(%arg10 : memref<128x64xf32, #tpu.memory_space<vmem>>) target(%dma_start3A_42 : memref<10240x64xf32, #tpu.memory_space<vmem_shared>>) offsets(%dma_start3A_39 : memref<128xi32, #tpu.memory_space<vmem>>) semaphore(%run_scoped3A_36 : memref<!tpu.dma_semaphore, #tpu.memory_space<semaphore_mem>>) {add = true}
      %dma_wait3A_43 = arith.constant 0 : i32
      %dma_wait3A_44 = tpu.memref_slice %arg8[%run_scoped3A_34, %dma_wait3A_43] : memref<80x128xi32, #tpu.memory_space<vmem>> -> memref<1x128xi32, #tpu.memory_space<vmem>>
      %dma_wait3A_45 = tpu.memref_squeeze %dma_wait3A_44 : memref<1x128xi32, #tpu.memory_space<vmem>> -> memref<128xi32, #tpu.memory_space<vmem>>
      %dma_wait3A_46 = arith.constant 0 : i32
      %dma_wait3A_47 = arith.constant 0 : i32
      %dma_wait3A_48 = tpu.memref_slice %arg15[%dma_wait3A_46, %dma_wait3A_47] : memref<10240x64xf32, #tpu.memory_space<vmem_shared>> -> memref<10240x64xf32, #tpu.memory_space<vmem_shared>>
      tpu.wait_indirect_dma semaphore(%run_scoped3A_36 : memref<!tpu.dma_semaphore, #tpu.memory_space<semaphore_mem>>) src(%arg10 : memref<128x64xf32, #tpu.memory_space<vmem>>) dst(%dma_wait3A_48 : memref<10240x64xf32, #tpu.memory_space<vmem_shared>>)
      tpu.yield
    }) : () -> ()
    %barrier3A_35 = arith.constant 0 : index
    tpu.barrier barrier_id(%barrier3A_35)
    "tpu.region"() ({
      %run_scoped3A_36 = tpu.sem_alloc : memref<!tpu.dma_semaphore, #tpu.memory_space<semaphore_mem>>
      %dma_start3A_37 = arith.constant 0 : i32
      %dma_start3A_38 = tpu.memref_slice %arg6[%arg0, %mul3A_2, %dma_start3A_37] : memref<2x10240x64xf32, #tpu.memory_space<hbm>> -> memref<1x640x64xf32, #tpu.memory_space<hbm>>
      %dma_start3A_39 = tpu.memref_squeeze %dma_start3A_38 : memref<1x640x64xf32, #tpu.memory_space<hbm>> -> memref<640x64xf32, #tpu.memory_space<hbm>>
      %dma_start3A_40 = arith.constant 0 : i32
      %dma_start3A_41 = tpu.memref_slice %arg15[%mul3A_2, %dma_start3A_40] : memref<10240x64xf32, #tpu.memory_space<vmem_shared>> -> memref<640x64xf32, #tpu.memory_space<vmem_shared>>
      tpu.enqueue_dma source(%dma_start3A_41 : memref<640x64xf32, #tpu.memory_space<vmem_shared>>) target(%dma_start3A_39 : memref<640x64xf32, #tpu.memory_space<hbm>>) target_semaphore(%run_scoped3A_36 : memref<!tpu.dma_semaphore, #tpu.memory_space<semaphore_mem>>)
      %dma_wait3A_42 = arith.constant 0 : i32
      %dma_wait3A_43 = tpu.memref_slice %arg6[%arg0, %mul3A_2, %dma_wait3A_42] : memref<2x10240x64xf32, #tpu.memory_space<hbm>> -> memref<1x640x64xf32, #tpu.memory_space<hbm>>
      %dma_wait3A_44 = tpu.memref_squeeze %dma_wait3A_43 : memref<1x640x64xf32, #tpu.memory_space<hbm>> -> memref<640x64xf32, #tpu.memory_space<hbm>>
      %dma_wait3A_45 = arith.constant 0 : i32
      %dma_wait3A_46 = tpu.memref_slice %arg15[%mul3A_2, %dma_wait3A_45] : memref<10240x64xf32, #tpu.memory_space<vmem_shared>> -> memref<640x64xf32, #tpu.memory_space<vmem_shared>>
      tpu.wait_dma2 semaphore(%run_scoped3A_36 : memref<!tpu.dma_semaphore, #tpu.memory_space<semaphore_mem>>) src(%dma_wait3A_46 : memref<640x64xf32, #tpu.memory_space<vmem_shared>>) dst(%dma_wait3A_44 : memref<640x64xf32, #tpu.memory_space<hbm>>)
      tpu.yield
    }) : () -> ()
    return
  }
}

#map = affine_map<(d0, d1) -> (0, 0, 0)>
#map1 = affine_map<(d0, d1) -> (0, 0)>
module attributes {stable_mosaic.version = 14 : i64} {
  func.func @_deg_body(%arg0: i32, %arg1: i32, %arg2: memref<32x80x128xi32, #tpu.memory_space<hbm>>, %arg3: memref<128x16xf32, #tpu.memory_space<hbm>>, %arg4: memref<10240x16xf32, #tpu.memory_space<hbm>>, %arg5: memref<2x10240x16xf32, #tpu.memory_space<hbm>>, %arg6: memref<80x128xi32, #tpu.memory_space<vmem>>, %arg7: memref<128x16xf32, #tpu.memory_space<vmem>>, %arg8: memref<10240x16xf32, #tpu.memory_space<vmem_shared>>) attributes {dimension_semantics = [#tpu.dimension_semantics<core_parallel>, #tpu.dimension_semantics<subcore_parallel>], iteration_bounds = array<i64: 2, 16>, scalar_prefetch = 0 : i64, scratch_operands = 3 : i64, tpu.core_type = #tpu.core_type<sc_vector_subcore>, window_params = [{transform_indices = #map}, {transform_indices = #map1}, {transform_indices = #map1}, {transform_indices = #map}]} {
    %mul3A = arith.constant 16 : i32
    %mul3A_0 = arith.muli %arg0, %mul3A : i32
    %add3A = arith.addi %mul3A_0, %arg1 : i32
    "tpu.region"() ({
      %run_scoped3A = tpu.sem_alloc : memref<!tpu.dma_semaphore, #tpu.memory_space<semaphore_mem>>
      %dma_start3A = arith.constant 0 : i32
      %dma_start3A_9 = arith.constant 0 : i32
      %dma_start3A_10 = tpu.memref_slice %arg2[%add3A, %dma_start3A, %dma_start3A_9] : memref<32x80x128xi32, #tpu.memory_space<hbm>> -> memref<1x80x128xi32, #tpu.memory_space<hbm>>
      %dma_start3A_11 = tpu.memref_squeeze %dma_start3A_10 : memref<1x80x128xi32, #tpu.memory_space<hbm>> -> memref<80x128xi32, #tpu.memory_space<hbm>>
      %dma_start3A_12 = arith.constant 0 : i32
      %dma_start3A_13 = arith.constant 0 : i32
      %dma_start3A_14 = tpu.memref_slice %arg2[%add3A, %dma_start3A_12, %dma_start3A_13] : memref<32x80x128xi32, #tpu.memory_space<hbm>> -> memref<1x80x128xi32, #tpu.memory_space<hbm>>
      %dma_start3A_15 = tpu.memref_squeeze %dma_start3A_14 : memref<1x80x128xi32, #tpu.memory_space<hbm>> -> memref<80x128xi32, #tpu.memory_space<hbm>>
      tpu.enqueue_dma source(%dma_start3A_15 : memref<80x128xi32, #tpu.memory_space<hbm>>) target(%arg6 : memref<80x128xi32, #tpu.memory_space<vmem>>) target_semaphore(%run_scoped3A : memref<!tpu.dma_semaphore, #tpu.memory_space<semaphore_mem>>)
      %dma_wait3A = arith.constant 0 : i32
      %dma_wait3A_16 = arith.constant 0 : i32
      %dma_wait3A_17 = tpu.memref_slice %arg2[%add3A, %dma_wait3A, %dma_wait3A_16] : memref<32x80x128xi32, #tpu.memory_space<hbm>> -> memref<1x80x128xi32, #tpu.memory_space<hbm>>
      %dma_wait3A_18 = tpu.memref_squeeze %dma_wait3A_17 : memref<1x80x128xi32, #tpu.memory_space<hbm>> -> memref<80x128xi32, #tpu.memory_space<hbm>>
      %dma_wait3A_19 = arith.constant 0 : i32
      %dma_wait3A_20 = arith.constant 0 : i32
      %dma_wait3A_21 = tpu.memref_slice %arg2[%add3A, %dma_wait3A_19, %dma_wait3A_20] : memref<32x80x128xi32, #tpu.memory_space<hbm>> -> memref<1x80x128xi32, #tpu.memory_space<hbm>>
      %dma_wait3A_22 = tpu.memref_squeeze %dma_wait3A_21 : memref<1x80x128xi32, #tpu.memory_space<hbm>> -> memref<80x128xi32, #tpu.memory_space<hbm>>
      tpu.wait_dma2 semaphore(%run_scoped3A : memref<!tpu.dma_semaphore, #tpu.memory_space<semaphore_mem>>) src(%dma_wait3A_22 : memref<80x128xi32, #tpu.memory_space<hbm>>) dst(%arg6 : memref<80x128xi32, #tpu.memory_space<vmem>>)
      tpu.yield
    }) : () -> ()
    "tpu.region"() ({
      %run_scoped3A = tpu.sem_alloc : memref<!tpu.dma_semaphore, #tpu.memory_space<semaphore_mem>>
      tpu.enqueue_dma source(%arg3 : memref<128x16xf32, #tpu.memory_space<hbm>>) target(%arg7 : memref<128x16xf32, #tpu.memory_space<vmem>>) target_semaphore(%run_scoped3A : memref<!tpu.dma_semaphore, #tpu.memory_space<semaphore_mem>>)
      tpu.wait_dma2 semaphore(%run_scoped3A : memref<!tpu.dma_semaphore, #tpu.memory_space<semaphore_mem>>) src(%arg3 : memref<128x16xf32, #tpu.memory_space<hbm>>) dst(%arg7 : memref<128x16xf32, #tpu.memory_space<vmem>>)
      tpu.yield
    }) : () -> ()
    %mul3A_1 = arith.constant 640 : i32
    %mul3A_2 = arith.muli %arg1, %mul3A_1 : i32
    "tpu.region"() ({
      %run_scoped3A = tpu.sem_alloc : memref<!tpu.dma_semaphore, #tpu.memory_space<semaphore_mem>>
      %dma_start3A = arith.constant 0 : i32
      %dma_start3A_9 = tpu.memref_slice %arg8[%mul3A_2, %dma_start3A] : memref<10240x16xf32, #tpu.memory_space<vmem_shared>> -> memref<640x16xf32, #tpu.memory_space<vmem_shared>>
      %dma_start3A_10 = arith.constant 0 : i32
      %dma_start3A_11 = tpu.memref_slice %arg4[%mul3A_2, %dma_start3A_10] : memref<10240x16xf32, #tpu.memory_space<hbm>> -> memref<640x16xf32, #tpu.memory_space<hbm>>
      tpu.enqueue_dma source(%dma_start3A_11 : memref<640x16xf32, #tpu.memory_space<hbm>>) target(%dma_start3A_9 : memref<640x16xf32, #tpu.memory_space<vmem_shared>>) target_semaphore(%run_scoped3A : memref<!tpu.dma_semaphore, #tpu.memory_space<semaphore_mem>>)
      %dma_wait3A = arith.constant 0 : i32
      %dma_wait3A_12 = tpu.memref_slice %arg8[%mul3A_2, %dma_wait3A] : memref<10240x16xf32, #tpu.memory_space<vmem_shared>> -> memref<640x16xf32, #tpu.memory_space<vmem_shared>>
      %dma_wait3A_13 = arith.constant 0 : i32
      %dma_wait3A_14 = tpu.memref_slice %arg4[%mul3A_2, %dma_wait3A_13] : memref<10240x16xf32, #tpu.memory_space<hbm>> -> memref<640x16xf32, #tpu.memory_space<hbm>>
      tpu.wait_dma2 semaphore(%run_scoped3A : memref<!tpu.dma_semaphore, #tpu.memory_space<semaphore_mem>>) src(%dma_wait3A_14 : memref<640x16xf32, #tpu.memory_space<hbm>>) dst(%dma_wait3A_12 : memref<640x16xf32, #tpu.memory_space<vmem_shared>>)
      tpu.yield
    }) : () -> ()
    %barrier3A = arith.constant 0 : index
    tpu.barrier barrier_id(%barrier3A)
    %scan3A = arith.constant 0 : i32
    %scan3A_3 = arith.constant 0 : i32
    %scan3A_4 = arith.constant 80 : i32
    %scan3A_5 = arith.addi %scan3A_3, %scan3A_4 : i32
    %scan3A_6 = arith.constant 1 : i32
    scf.for %scan3A_9 = %scan3A_3 to %scan3A_5 step %scan3A_6  : i32 {
      "tpu.region"() ({
        %run_scoped3A = tpu.sem_alloc : memref<!tpu.dma_semaphore, #tpu.memory_space<semaphore_mem>>
        %dma_start3A = arith.constant 0 : i32
        %dma_start3A_10 = tpu.memref_slice %arg6[%scan3A_9, %dma_start3A] : memref<80x128xi32, #tpu.memory_space<vmem>> -> memref<1x128xi32, #tpu.memory_space<vmem>>
        %dma_start3A_11 = tpu.memref_squeeze %dma_start3A_10 : memref<1x128xi32, #tpu.memory_space<vmem>> -> memref<128xi32, #tpu.memory_space<vmem>>
        %dma_start3A_12 = arith.constant 0 : i32
        %dma_start3A_13 = arith.constant 0 : i32
        %dma_start3A_14 = tpu.memref_slice %arg8[%dma_start3A_12, %dma_start3A_13] : memref<10240x16xf32, #tpu.memory_space<vmem_shared>> -> memref<10240x16xf32, #tpu.memory_space<vmem_shared>>
        tpu.enqueue_indirect_dma source(%arg7 : memref<128x16xf32, #tpu.memory_space<vmem>>) target(%dma_start3A_14 : memref<10240x16xf32, #tpu.memory_space<vmem_shared>>) offsets(%dma_start3A_11 : memref<128xi32, #tpu.memory_space<vmem>>) semaphore(%run_scoped3A : memref<!tpu.dma_semaphore, #tpu.memory_space<semaphore_mem>>) {add = true}
        %dma_wait3A = arith.constant 0 : i32
        %dma_wait3A_15 = tpu.memref_slice %arg6[%scan3A_9, %dma_wait3A] : memref<80x128xi32, #tpu.memory_space<vmem>> -> memref<1x128xi32, #tpu.memory_space<vmem>>
        %dma_wait3A_16 = tpu.memref_squeeze %dma_wait3A_15 : memref<1x128xi32, #tpu.memory_space<vmem>> -> memref<128xi32, #tpu.memory_space<vmem>>
        %dma_wait3A_17 = arith.constant 0 : i32
        %dma_wait3A_18 = arith.constant 0 : i32
        %dma_wait3A_19 = tpu.memref_slice %arg8[%dma_wait3A_17, %dma_wait3A_18] : memref<10240x16xf32, #tpu.memory_space<vmem_shared>> -> memref<10240x16xf32, #tpu.memory_space<vmem_shared>>
        tpu.wait_indirect_dma semaphore(%run_scoped3A : memref<!tpu.dma_semaphore, #tpu.memory_space<semaphore_mem>>) src(%arg7 : memref<128x16xf32, #tpu.memory_space<vmem>>) dst(%dma_wait3A_19 : memref<10240x16xf32, #tpu.memory_space<vmem_shared>>)
        tpu.yield
      }) : () -> ()
    }
    %scan3A_7 = arith.constant 80 : i32
    %barrier3A_8 = arith.constant 0 : index
    tpu.barrier barrier_id(%barrier3A_8)
    "tpu.region"() ({
      %run_scoped3A = tpu.sem_alloc : memref<!tpu.dma_semaphore, #tpu.memory_space<semaphore_mem>>
      %dma_start3A = arith.constant 0 : i32
      %dma_start3A_9 = tpu.memref_slice %arg5[%arg0, %mul3A_2, %dma_start3A] : memref<2x10240x16xf32, #tpu.memory_space<hbm>> -> memref<1x640x16xf32, #tpu.memory_space<hbm>>
      %dma_start3A_10 = tpu.memref_squeeze %dma_start3A_9 : memref<1x640x16xf32, #tpu.memory_space<hbm>> -> memref<640x16xf32, #tpu.memory_space<hbm>>
      %dma_start3A_11 = arith.constant 0 : i32
      %dma_start3A_12 = tpu.memref_slice %arg8[%mul3A_2, %dma_start3A_11] : memref<10240x16xf32, #tpu.memory_space<vmem_shared>> -> memref<640x16xf32, #tpu.memory_space<vmem_shared>>
      tpu.enqueue_dma source(%dma_start3A_12 : memref<640x16xf32, #tpu.memory_space<vmem_shared>>) target(%dma_start3A_10 : memref<640x16xf32, #tpu.memory_space<hbm>>) target_semaphore(%run_scoped3A : memref<!tpu.dma_semaphore, #tpu.memory_space<semaphore_mem>>)
      %dma_wait3A = arith.constant 0 : i32
      %dma_wait3A_13 = tpu.memref_slice %arg5[%arg0, %mul3A_2, %dma_wait3A] : memref<2x10240x16xf32, #tpu.memory_space<hbm>> -> memref<1x640x16xf32, #tpu.memory_space<hbm>>
      %dma_wait3A_14 = tpu.memref_squeeze %dma_wait3A_13 : memref<1x640x16xf32, #tpu.memory_space<hbm>> -> memref<640x16xf32, #tpu.memory_space<hbm>>
      %dma_wait3A_15 = arith.constant 0 : i32
      %dma_wait3A_16 = tpu.memref_slice %arg8[%mul3A_2, %dma_wait3A_15] : memref<10240x16xf32, #tpu.memory_space<vmem_shared>> -> memref<640x16xf32, #tpu.memory_space<vmem_shared>>
      tpu.wait_dma2 semaphore(%run_scoped3A : memref<!tpu.dma_semaphore, #tpu.memory_space<semaphore_mem>>) src(%dma_wait3A_16 : memref<640x16xf32, #tpu.memory_space<vmem_shared>>) dst(%dma_wait3A_14 : memref<640x16xf32, #tpu.memory_space<hbm>>)
      tpu.yield
    }) : () -> ()
    return
  }
}

#map = affine_map<(d0, d1) -> (0, 0)>
#map1 = affine_map<(d0, d1) -> (0, 0, 0)>
module attributes {stable_mosaic.version = 14 : i64} {
  func.func @_agg_body(%arg0: i32, %arg1: i32, %arg2: memref<10000x64xf32, #tpu.memory_space<hbm>>, %arg3: memref<32x80x128xi32, #tpu.memory_space<hbm>>, %arg4: memref<32x80x128xi32, #tpu.memory_space<hbm>>, %arg5: memref<10240x64xf32, #tpu.memory_space<hbm>>, %arg6: memref<2x10240x64xf32, #tpu.memory_space<hbm>>, %arg7: memref<80x128xi32, #tpu.memory_space<vmem>>, %arg8: memref<80x128xi32, #tpu.memory_space<vmem>>, %arg9: memref<128x64xf32, #tpu.memory_space<vmem>>, %arg10: memref<128x64xf32, #tpu.memory_space<vmem>>, %arg11: memref<128x64xf32, #tpu.memory_space<vmem>>, %arg12: memref<!tpu.dma_semaphore, #tpu.memory_space<semaphore_mem>>, %arg13: memref<!tpu.dma_semaphore, #tpu.memory_space<semaphore_mem>>, %arg14: memref<!tpu.dma_semaphore, #tpu.memory_space<semaphore_mem>>, %arg15: memref<10240x64xf32, #tpu.memory_space<vmem_shared>>) attributes {dimension_semantics = [#tpu.dimension_semantics<core_parallel>, #tpu.dimension_semantics<subcore_parallel>], iteration_bounds = array<i64: 2, 16>, scalar_prefetch = 0 : i64, scratch_operands = 9 : i64, tpu.core_type = #tpu.core_type<sc_vector_subcore>, window_params = [{transform_indices = #map}, {transform_indices = #map1}, {transform_indices = #map1}, {transform_indices = #map}, {transform_indices = #map1}]} {
    %mul3A = arith.constant 16 : i32
    %mul3A_0 = arith.muli %arg0, %mul3A : i32
    %add3A = arith.addi %mul3A_0, %arg1 : i32
    "tpu.region"() ({
      %run_scoped3A_36 = tpu.sem_alloc : memref<!tpu.dma_semaphore, #tpu.memory_space<semaphore_mem>>
      %dma_start3A_37 = arith.constant 0 : i32
      %dma_start3A_38 = arith.constant 0 : i32
      %dma_start3A_39 = tpu.memref_slice %arg3[%add3A, %dma_start3A_37, %dma_start3A_38] : memref<32x80x128xi32, #tpu.memory_space<hbm>> -> memref<1x80x128xi32, #tpu.memory_space<hbm>>
      %dma_start3A_40 = tpu.memref_squeeze %dma_start3A_39 : memref<1x80x128xi32, #tpu.memory_space<hbm>> -> memref<80x128xi32, #tpu.memory_space<hbm>>
      %dma_start3A_41 = arith.constant 0 : i32
      %dma_start3A_42 = arith.constant 0 : i32
      %dma_start3A_43 = tpu.memref_slice %arg3[%add3A, %dma_start3A_41, %dma_start3A_42] : memref<32x80x128xi32, #tpu.memory_space<hbm>> -> memref<1x80x128xi32, #tpu.memory_space<hbm>>
      %dma_start3A_44 = tpu.memref_squeeze %dma_start3A_43 : memref<1x80x128xi32, #tpu.memory_space<hbm>> -> memref<80x128xi32, #tpu.memory_space<hbm>>
      tpu.enqueue_dma source(%dma_start3A_44 : memref<80x128xi32, #tpu.memory_space<hbm>>) target(%arg7 : memref<80x128xi32, #tpu.memory_space<vmem>>) target_semaphore(%run_scoped3A_36 : memref<!tpu.dma_semaphore, #tpu.memory_space<semaphore_mem>>)
      %dma_wait3A_45 = arith.constant 0 : i32
      %dma_wait3A_46 = arith.constant 0 : i32
      %dma_wait3A_47 = tpu.memref_slice %arg3[%add3A, %dma_wait3A_45, %dma_wait3A_46] : memref<32x80x128xi32, #tpu.memory_space<hbm>> -> memref<1x80x128xi32, #tpu.memory_space<hbm>>
      %dma_wait3A_48 = tpu.memref_squeeze %dma_wait3A_47 : memref<1x80x128xi32, #tpu.memory_space<hbm>> -> memref<80x128xi32, #tpu.memory_space<hbm>>
      %dma_wait3A_49 = arith.constant 0 : i32
      %dma_wait3A_50 = arith.constant 0 : i32
      %dma_wait3A_51 = tpu.memref_slice %arg3[%add3A, %dma_wait3A_49, %dma_wait3A_50] : memref<32x80x128xi32, #tpu.memory_space<hbm>> -> memref<1x80x128xi32, #tpu.memory_space<hbm>>
      %dma_wait3A_52 = tpu.memref_squeeze %dma_wait3A_51 : memref<1x80x128xi32, #tpu.memory_space<hbm>> -> memref<80x128xi32, #tpu.memory_space<hbm>>
      tpu.wait_dma2 semaphore(%run_scoped3A_36 : memref<!tpu.dma_semaphore, #tpu.memory_space<semaphore_mem>>) src(%dma_wait3A_52 : memref<80x128xi32, #tpu.memory_space<hbm>>) dst(%arg7 : memref<80x128xi32, #tpu.memory_space<vmem>>)
      tpu.yield
    }) : () -> ()
    "tpu.region"() ({
      %run_scoped3A_36 = tpu.sem_alloc : memref<!tpu.dma_semaphore, #tpu.memory_space<semaphore_mem>>
      %dma_start3A_37 = arith.constant 0 : i32
      %dma_start3A_38 = arith.constant 0 : i32
      %dma_start3A_39 = tpu.memref_slice %arg4[%add3A, %dma_start3A_37, %dma_start3A_38] : memref<32x80x128xi32, #tpu.memory_space<hbm>> -> memref<1x80x128xi32, #tpu.memory_space<hbm>>
      %dma_start3A_40 = tpu.memref_squeeze %dma_start3A_39 : memref<1x80x128xi32, #tpu.memory_space<hbm>> -> memref<80x128xi32, #tpu.memory_space<hbm>>
      %dma_start3A_41 = arith.constant 0 : i32
      %dma_start3A_42 = arith.constant 0 : i32
      %dma_start3A_43 = tpu.memref_slice %arg4[%add3A, %dma_start3A_41, %dma_start3A_42] : memref<32x80x128xi32, #tpu.memory_space<hbm>> -> memref<1x80x128xi32, #tpu.memory_space<hbm>>
      %dma_start3A_44 = tpu.memref_squeeze %dma_start3A_43 : memref<1x80x128xi32, #tpu.memory_space<hbm>> -> memref<80x128xi32, #tpu.memory_space<hbm>>
      tpu.enqueue_dma source(%dma_start3A_44 : memref<80x128xi32, #tpu.memory_space<hbm>>) target(%arg8 : memref<80x128xi32, #tpu.memory_space<vmem>>) target_semaphore(%run_scoped3A_36 : memref<!tpu.dma_semaphore, #tpu.memory_space<semaphore_mem>>)
      %dma_wait3A_45 = arith.constant 0 : i32
      %dma_wait3A_46 = arith.constant 0 : i32
      %dma_wait3A_47 = tpu.memref_slice %arg4[%add3A, %dma_wait3A_45, %dma_wait3A_46] : memref<32x80x128xi32, #tpu.memory_space<hbm>> -> memref<1x80x128xi32, #tpu.memory_space<hbm>>
      %dma_wait3A_48 = tpu.memref_squeeze %dma_wait3A_47 : memref<1x80x128xi32, #tpu.memory_space<hbm>> -> memref<80x128xi32, #tpu.memory_space<hbm>>
      %dma_wait3A_49 = arith.constant 0 : i32
      %dma_wait3A_50 = arith.constant 0 : i32
      %dma_wait3A_51 = tpu.memref_slice %arg4[%add3A, %dma_wait3A_49, %dma_wait3A_50] : memref<32x80x128xi32, #tpu.memory_space<hbm>> -> memref<1x80x128xi32, #tpu.memory_space<hbm>>
      %dma_wait3A_52 = tpu.memref_squeeze %dma_wait3A_51 : memref<1x80x128xi32, #tpu.memory_space<hbm>> -> memref<80x128xi32, #tpu.memory_space<hbm>>
      tpu.wait_dma2 semaphore(%run_scoped3A_36 : memref<!tpu.dma_semaphore, #tpu.memory_space<semaphore_mem>>) src(%dma_wait3A_52 : memref<80x128xi32, #tpu.memory_space<hbm>>) dst(%arg8 : memref<80x128xi32, #tpu.memory_space<vmem>>)
      tpu.yield
    }) : () -> ()
    %mul3A_1 = arith.constant 640 : i32
    %mul3A_2 = arith.muli %arg1, %mul3A_1 : i32
    "tpu.region"() ({
      %run_scoped3A_36 = tpu.sem_alloc : memref<!tpu.dma_semaphore, #tpu.memory_space<semaphore_mem>>
      %dma_start3A_37 = arith.constant 0 : i32
      %dma_start3A_38 = tpu.memref_slice %arg15[%mul3A_2, %dma_start3A_37] : memref<10240x64xf32, #tpu.memory_space<vmem_shared>> -> memref<640x64xf32, #tpu.memory_space<vmem_shared>>
      %dma_start3A_39 = arith.constant 0 : i32
      %dma_start3A_40 = tpu.memref_slice %arg5[%mul3A_2, %dma_start3A_39] : memref<10240x64xf32, #tpu.memory_space<hbm>> -> memref<640x64xf32, #tpu.memory_space<hbm>>
      tpu.enqueue_dma source(%dma_start3A_40 : memref<640x64xf32, #tpu.memory_space<hbm>>) target(%dma_start3A_38 : memref<640x64xf32, #tpu.memory_space<vmem_shared>>) target_semaphore(%run_scoped3A_36 : memref<!tpu.dma_semaphore, #tpu.memory_space<semaphore_mem>>)
      %dma_wait3A_41 = arith.constant 0 : i32
      %dma_wait3A_42 = tpu.memref_slice %arg15[%mul3A_2, %dma_wait3A_41] : memref<10240x64xf32, #tpu.memory_space<vmem_shared>> -> memref<640x64xf32, #tpu.memory_space<vmem_shared>>
      %dma_wait3A_43 = arith.constant 0 : i32
      %dma_wait3A_44 = tpu.memref_slice %arg5[%mul3A_2, %dma_wait3A_43] : memref<10240x64xf32, #tpu.memory_space<hbm>> -> memref<640x64xf32, #tpu.memory_space<hbm>>
      tpu.wait_dma2 semaphore(%run_scoped3A_36 : memref<!tpu.dma_semaphore, #tpu.memory_space<semaphore_mem>>) src(%dma_wait3A_44 : memref<640x64xf32, #tpu.memory_space<hbm>>) dst(%dma_wait3A_42 : memref<640x64xf32, #tpu.memory_space<vmem_shared>>)
      tpu.yield
    }) : () -> ()
    %barrier3A = arith.constant 0 : index
    tpu.barrier barrier_id(%barrier3A)
    %dma_start3A = arith.constant 0 : i32
    %dma_start3A_3 = arith.constant 0 : i32
    %dma_start3A_4 = tpu.memref_slice %arg7[%dma_start3A, %dma_start3A_3] : memref<80x128xi32, #tpu.memory_space<vmem>> -> memref<1x128xi32, #tpu.memory_space<vmem>>
    %dma_start3A_5 = tpu.memref_squeeze %dma_start3A_4 : memref<1x128xi32, #tpu.memory_space<vmem>> -> memref<128xi32, #tpu.memory_space<vmem>>
    %dma_start3A_6 = arith.constant 0 : i32
    %dma_start3A_7 = arith.constant 0 : i32
    %dma_start3A_8 = tpu.memref_slice %arg2[%dma_start3A_6, %dma_start3A_7] : memref<10000x64xf32, #tpu.memory_space<hbm>> -> memref<10000x64xf32, #tpu.memory_space<hbm>>
    tpu.enqueue_indirect_dma source(%dma_start3A_8 : memref<10000x64xf32, #tpu.memory_space<hbm>>) target(%arg9 : memref<128x64xf32, #tpu.memory_space<vmem>>) offsets(%dma_start3A_5 : memref<128xi32, #tpu.memory_space<vmem>>) semaphore(%arg12 : memref<!tpu.dma_semaphore, #tpu.memory_space<semaphore_mem>>)
    %dma_start3A_9 = arith.constant 1 : i32
    %dma_start3A_10 = arith.constant 0 : i32
    %dma_start3A_11 = tpu.memref_slice %arg7[%dma_start3A_9, %dma_start3A_10] : memref<80x128xi32, #tpu.memory_space<vmem>> -> memref<1x128xi32, #tpu.memory_space<vmem>>
    %dma_start3A_12 = tpu.memref_squeeze %dma_start3A_11 : memref<1x128xi32, #tpu.memory_space<vmem>> -> memref<128xi32, #tpu.memory_space<vmem>>
    %dma_start3A_13 = arith.constant 0 : i32
    %dma_start3A_14 = arith.constant 0 : i32
    %dma_start3A_15 = tpu.memref_slice %arg2[%dma_start3A_13, %dma_start3A_14] : memref<10000x64xf32, #tpu.memory_space<hbm>> -> memref<10000x64xf32, #tpu.memory_space<hbm>>
    tpu.enqueue_indirect_dma source(%dma_start3A_15 : memref<10000x64xf32, #tpu.memory_space<hbm>>) target(%arg10 : memref<128x64xf32, #tpu.memory_space<vmem>>) offsets(%dma_start3A_12 : memref<128xi32, #tpu.memory_space<vmem>>) semaphore(%arg13 : memref<!tpu.dma_semaphore, #tpu.memory_space<semaphore_mem>>)
    %scan3A = arith.constant 0 : i32
    %scan3A_16 = arith.constant 0 : i32
    %scan3A_17 = arith.constant 26 : i32
    %scan3A_18 = arith.addi %scan3A_16, %scan3A_17 : i32
    %scan3A_19 = arith.constant 1 : i32
    scf.for %scan3A_36 = %scan3A_16 to %scan3A_18 step %scan3A_19  : i32 {
      %mul3A_37 = arith.constant 3 : i32
      %mul3A_38 = arith.muli %mul3A_37, %scan3A_36 : i32
      %add3A_39 = arith.constant 0 : i32
      %add3A_40 = arith.addi %mul3A_38, %add3A_39 : i32
      %add3A_41 = arith.constant 2 : i32
      %add3A_42 = arith.addi %add3A_40, %add3A_41 : i32
      %dma_start3A_43 = arith.constant 0 : i32
      %dma_start3A_44 = tpu.memref_slice %arg7[%add3A_42, %dma_start3A_43] : memref<80x128xi32, #tpu.memory_space<vmem>> -> memref<1x128xi32, #tpu.memory_space<vmem>>
      %dma_start3A_45 = tpu.memref_squeeze %dma_start3A_44 : memref<1x128xi32, #tpu.memory_space<vmem>> -> memref<128xi32, #tpu.memory_space<vmem>>
      %dma_start3A_46 = arith.constant 0 : i32
      %dma_start3A_47 = arith.constant 0 : i32
      %dma_start3A_48 = tpu.memref_slice %arg2[%dma_start3A_46, %dma_start3A_47] : memref<10000x64xf32, #tpu.memory_space<hbm>> -> memref<10000x64xf32, #tpu.memory_space<hbm>>
      tpu.enqueue_indirect_dma source(%dma_start3A_48 : memref<10000x64xf32, #tpu.memory_space<hbm>>) target(%arg11 : memref<128x64xf32, #tpu.memory_space<vmem>>) offsets(%dma_start3A_45 : memref<128xi32, #tpu.memory_space<vmem>>) semaphore(%arg14 : memref<!tpu.dma_semaphore, #tpu.memory_space<semaphore_mem>>)
      %add3A_49 = arith.constant 0 : i32
      %add3A_50 = arith.addi %mul3A_38, %add3A_49 : i32
      %dma_wait3A_51 = arith.constant 0 : i32
      %dma_wait3A_52 = tpu.memref_slice %arg7[%add3A_50, %dma_wait3A_51] : memref<80x128xi32, #tpu.memory_space<vmem>> -> memref<1x128xi32, #tpu.memory_space<vmem>>
      %dma_wait3A_53 = tpu.memref_squeeze %dma_wait3A_52 : memref<1x128xi32, #tpu.memory_space<vmem>> -> memref<128xi32, #tpu.memory_space<vmem>>
      %dma_wait3A_54 = arith.constant 0 : i32
      %dma_wait3A_55 = arith.constant 0 : i32
      %dma_wait3A_56 = tpu.memref_slice %arg2[%dma_wait3A_54, %dma_wait3A_55] : memref<10000x64xf32, #tpu.memory_space<hbm>> -> memref<10000x64xf32, #tpu.memory_space<hbm>>
      tpu.wait_indirect_dma semaphore(%arg12 : memref<!tpu.dma_semaphore, #tpu.memory_space<semaphore_mem>>) src(%dma_wait3A_56 : memref<10000x64xf32, #tpu.memory_space<hbm>>) dst(%arg9 : memref<128x64xf32, #tpu.memory_space<vmem>>)
      %add3A_57 = arith.constant 0 : i32
      %add3A_58 = arith.addi %mul3A_38, %add3A_57 : i32
      "tpu.region"() ({
        %run_scoped3A_99 = tpu.sem_alloc : memref<!tpu.dma_semaphore, #tpu.memory_space<semaphore_mem>>
        %dma_start3A_100 = arith.constant 0 : i32
        %dma_start3A_101 = tpu.memref_slice %arg8[%add3A_58, %dma_start3A_100] : memref<80x128xi32, #tpu.memory_space<vmem>> -> memref<1x128xi32, #tpu.memory_space<vmem>>
        %dma_start3A_102 = tpu.memref_squeeze %dma_start3A_101 : memref<1x128xi32, #tpu.memory_space<vmem>> -> memref<128xi32, #tpu.memory_space<vmem>>
        %dma_start3A_103 = arith.constant 0 : i32
        %dma_start3A_104 = arith.constant 0 : i32
        %dma_start3A_105 = tpu.memref_slice %arg15[%dma_start3A_103, %dma_start3A_104] : memref<10240x64xf32, #tpu.memory_space<vmem_shared>> -> memref<10240x64xf32, #tpu.memory_space<vmem_shared>>
        tpu.enqueue_indirect_dma source(%arg9 : memref<128x64xf32, #tpu.memory_space<vmem>>) target(%dma_start3A_105 : memref<10240x64xf32, #tpu.memory_space<vmem_shared>>) offsets(%dma_start3A_102 : memref<128xi32, #tpu.memory_space<vmem>>) semaphore(%run_scoped3A_99 : memref<!tpu.dma_semaphore, #tpu.memory_space<semaphore_mem>>) {add = true}
        %dma_wait3A_106 = arith.constant 0 : i32
        %dma_wait3A_107 = tpu.memref_slice %arg8[%add3A_58, %dma_wait3A_106] : memref<80x128xi32, #tpu.memory_space<vmem>> -> memref<1x128xi32, #tpu.memory_space<vmem>>
        %dma_wait3A_108 = tpu.memref_squeeze %dma_wait3A_107 : memref<1x128xi32, #tpu.memory_space<vmem>> -> memref<128xi32, #tpu.memory_space<vmem>>
        %dma_wait3A_109 = arith.constant 0 : i32
        %dma_wait3A_110 = arith.constant 0 : i32
        %dma_wait3A_111 = tpu.memref_slice %arg15[%dma_wait3A_109, %dma_wait3A_110] : memref<10240x64xf32, #tpu.memory_space<vmem_shared>> -> memref<10240x64xf32, #tpu.memory_space<vmem_shared>>
        tpu.wait_indirect_dma semaphore(%run_scoped3A_99 : memref<!tpu.dma_semaphore, #tpu.memory_space<semaphore_mem>>) src(%arg9 : memref<128x64xf32, #tpu.memory_space<vmem>>) dst(%dma_wait3A_111 : memref<10240x64xf32, #tpu.memory_space<vmem_shared>>)
        tpu.yield
      }) : () -> ()
      %add3A_59 = arith.constant 1 : i32
      %add3A_60 = arith.addi %mul3A_38, %add3A_59 : i32
      %add3A_61 = arith.constant 2 : i32
      %add3A_62 = arith.addi %add3A_60, %add3A_61 : i32
      %dma_start3A_63 = arith.constant 0 : i32
      %dma_start3A_64 = tpu.memref_slice %arg7[%add3A_62, %dma_start3A_63] : memref<80x128xi32, #tpu.memory_space<vmem>> -> memref<1x128xi32, #tpu.memory_space<vmem>>
      %dma_start3A_65 = tpu.memref_squeeze %dma_start3A_64 : memref<1x128xi32, #tpu.memory_space<vmem>> -> memref<128xi32, #tpu.memory_space<vmem>>
      %dma_start3A_66 = arith.constant 0 : i32
      %dma_start3A_67 = arith.constant 0 : i32
      %dma_start3A_68 = tpu.memref_slice %arg2[%dma_start3A_66, %dma_start3A_67] : memref<10000x64xf32, #tpu.memory_space<hbm>> -> memref<10000x64xf32, #tpu.memory_space<hbm>>
      tpu.enqueue_indirect_dma source(%dma_start3A_68 : memref<10000x64xf32, #tpu.memory_space<hbm>>) target(%arg9 : memref<128x64xf32, #tpu.memory_space<vmem>>) offsets(%dma_start3A_65 : memref<128xi32, #tpu.memory_space<vmem>>) semaphore(%arg12 : memref<!tpu.dma_semaphore, #tpu.memory_space<semaphore_mem>>)
      %add3A_69 = arith.constant 1 : i32
      %add3A_70 = arith.addi %mul3A_38, %add3A_69 : i32
      %dma_wait3A_71 = arith.constant 0 : i32
      %dma_wait3A_72 = tpu.memref_slice %arg7[%add3A_70, %dma_wait3A_71] : memref<80x128xi32, #tpu.memory_space<vmem>> -> memref<1x128xi32, #tpu.memory_space<vmem>>
      %dma_wait3A_73 = tpu.memref_squeeze %dma_wait3A_72 : memref<1x128xi32, #tpu.memory_space<vmem>> -> memref<128xi32, #tpu.memory_space<vmem>>
      %dma_wait3A_74 = arith.constant 0 : i32
      %dma_wait3A_75 = arith.constant 0 : i32
      %dma_wait3A_76 = tpu.memref_slice %arg2[%dma_wait3A_74, %dma_wait3A_75] : memref<10000x64xf32, #tpu.memory_space<hbm>> -> memref<10000x64xf32, #tpu.memory_space<hbm>>
      tpu.wait_indirect_dma semaphore(%arg13 : memref<!tpu.dma_semaphore, #tpu.memory_space<semaphore_mem>>) src(%dma_wait3A_76 : memref<10000x64xf32, #tpu.memory_space<hbm>>) dst(%arg10 : memref<128x64xf32, #tpu.memory_space<vmem>>)
      %add3A_77 = arith.constant 1 : i32
      %add3A_78 = arith.addi %mul3A_38, %add3A_77 : i32
      "tpu.region"() ({
        %run_scoped3A_99 = tpu.sem_alloc : memref<!tpu.dma_semaphore, #tpu.memory_space<semaphore_mem>>
        %dma_start3A_100 = arith.constant 0 : i32
        %dma_start3A_101 = tpu.memref_slice %arg8[%add3A_78, %dma_start3A_100] : memref<80x128xi32, #tpu.memory_space<vmem>> -> memref<1x128xi32, #tpu.memory_space<vmem>>
        %dma_start3A_102 = tpu.memref_squeeze %dma_start3A_101 : memref<1x128xi32, #tpu.memory_space<vmem>> -> memref<128xi32, #tpu.memory_space<vmem>>
        %dma_start3A_103 = arith.constant 0 : i32
        %dma_start3A_104 = arith.constant 0 : i32
        %dma_start3A_105 = tpu.memref_slice %arg15[%dma_start3A_103, %dma_start3A_104] : memref<10240x64xf32, #tpu.memory_space<vmem_shared>> -> memref<10240x64xf32, #tpu.memory_space<vmem_shared>>
        tpu.enqueue_indirect_dma source(%arg10 : memref<128x64xf32, #tpu.memory_space<vmem>>) target(%dma_start3A_105 : memref<10240x64xf32, #tpu.memory_space<vmem_shared>>) offsets(%dma_start3A_102 : memref<128xi32, #tpu.memory_space<vmem>>) semaphore(%run_scoped3A_99 : memref<!tpu.dma_semaphore, #tpu.memory_space<semaphore_mem>>) {add = true}
        %dma_wait3A_106 = arith.constant 0 : i32
        %dma_wait3A_107 = tpu.memref_slice %arg8[%add3A_78, %dma_wait3A_106] : memref<80x128xi32, #tpu.memory_space<vmem>> -> memref<1x128xi32, #tpu.memory_space<vmem>>
        %dma_wait3A_108 = tpu.memref_squeeze %dma_wait3A_107 : memref<1x128xi32, #tpu.memory_space<vmem>> -> memref<128xi32, #tpu.memory_space<vmem>>
        %dma_wait3A_109 = arith.constant 0 : i32
        %dma_wait3A_110 = arith.constant 0 : i32
        %dma_wait3A_111 = tpu.memref_slice %arg15[%dma_wait3A_109, %dma_wait3A_110] : memref<10240x64xf32, #tpu.memory_space<vmem_shared>> -> memref<10240x64xf32, #tpu.memory_space<vmem_shared>>
        tpu.wait_indirect_dma semaphore(%run_scoped3A_99 : memref<!tpu.dma_semaphore, #tpu.memory_space<semaphore_mem>>) src(%arg10 : memref<128x64xf32, #tpu.memory_space<vmem>>) dst(%dma_wait3A_111 : memref<10240x64xf32, #tpu.memory_space<vmem_shared>>)
        tpu.yield
      }) : () -> ()
      %add3A_79 = arith.constant 2 : i32
      %add3A_80 = arith.addi %mul3A_38, %add3A_79 : i32
      %add3A_81 = arith.constant 2 : i32
      %add3A_82 = arith.addi %add3A_80, %add3A_81 : i32
      %dma_start3A_83 = arith.constant 0 : i32
      %dma_start3A_84 = tpu.memref_slice %arg7[%add3A_82, %dma_start3A_83] : memref<80x128xi32, #tpu.memory_space<vmem>> -> memref<1x128xi32, #tpu.memory_space<vmem>>
      %dma_start3A_85 = tpu.memref_squeeze %dma_start3A_84 : memref<1x128xi32, #tpu.memory_space<vmem>> -> memref<128xi32, #tpu.memory_space<vmem>>
      %dma_start3A_86 = arith.constant 0 : i32
      %dma_start3A_87 = arith.constant 0 : i32
      %dma_start3A_88 = tpu.memref_slice %arg2[%dma_start3A_86, %dma_start3A_87] : memref<10000x64xf32, #tpu.memory_space<hbm>> -> memref<10000x64xf32, #tpu.memory_space<hbm>>
      tpu.enqueue_indirect_dma source(%dma_start3A_88 : memref<10000x64xf32, #tpu.memory_space<hbm>>) target(%arg10 : memref<128x64xf32, #tpu.memory_space<vmem>>) offsets(%dma_start3A_85 : memref<128xi32, #tpu.memory_space<vmem>>) semaphore(%arg13 : memref<!tpu.dma_semaphore, #tpu.memory_space<semaphore_mem>>)
      %add3A_89 = arith.constant 2 : i32
      %add3A_90 = arith.addi %mul3A_38, %add3A_89 : i32
      %dma_wait3A_91 = arith.constant 0 : i32
      %dma_wait3A_92 = tpu.memref_slice %arg7[%add3A_90, %dma_wait3A_91] : memref<80x128xi32, #tpu.memory_space<vmem>> -> memref<1x128xi32, #tpu.memory_space<vmem>>
      %dma_wait3A_93 = tpu.memref_squeeze %dma_wait3A_92 : memref<1x128xi32, #tpu.memory_space<vmem>> -> memref<128xi32, #tpu.memory_space<vmem>>
      %dma_wait3A_94 = arith.constant 0 : i32
      %dma_wait3A_95 = arith.constant 0 : i32
      %dma_wait3A_96 = tpu.memref_slice %arg2[%dma_wait3A_94, %dma_wait3A_95] : memref<10000x64xf32, #tpu.memory_space<hbm>> -> memref<10000x64xf32, #tpu.memory_space<hbm>>
      tpu.wait_indirect_dma semaphore(%arg14 : memref<!tpu.dma_semaphore, #tpu.memory_space<semaphore_mem>>) src(%dma_wait3A_96 : memref<10000x64xf32, #tpu.memory_space<hbm>>) dst(%arg11 : memref<128x64xf32, #tpu.memory_space<vmem>>)
      %add3A_97 = arith.constant 2 : i32
      %add3A_98 = arith.addi %mul3A_38, %add3A_97 : i32
      "tpu.region"() ({
        %run_scoped3A_99 = tpu.sem_alloc : memref<!tpu.dma_semaphore, #tpu.memory_space<semaphore_mem>>
        %dma_start3A_100 = arith.constant 0 : i32
        %dma_start3A_101 = tpu.memref_slice %arg8[%add3A_98, %dma_start3A_100] : memref<80x128xi32, #tpu.memory_space<vmem>> -> memref<1x128xi32, #tpu.memory_space<vmem>>
        %dma_start3A_102 = tpu.memref_squeeze %dma_start3A_101 : memref<1x128xi32, #tpu.memory_space<vmem>> -> memref<128xi32, #tpu.memory_space<vmem>>
        %dma_start3A_103 = arith.constant 0 : i32
        %dma_start3A_104 = arith.constant 0 : i32
        %dma_start3A_105 = tpu.memref_slice %arg15[%dma_start3A_103, %dma_start3A_104] : memref<10240x64xf32, #tpu.memory_space<vmem_shared>> -> memref<10240x64xf32, #tpu.memory_space<vmem_shared>>
        tpu.enqueue_indirect_dma source(%arg11 : memref<128x64xf32, #tpu.memory_space<vmem>>) target(%dma_start3A_105 : memref<10240x64xf32, #tpu.memory_space<vmem_shared>>) offsets(%dma_start3A_102 : memref<128xi32, #tpu.memory_space<vmem>>) semaphore(%run_scoped3A_99 : memref<!tpu.dma_semaphore, #tpu.memory_space<semaphore_mem>>) {add = true}
        %dma_wait3A_106 = arith.constant 0 : i32
        %dma_wait3A_107 = tpu.memref_slice %arg8[%add3A_98, %dma_wait3A_106] : memref<80x128xi32, #tpu.memory_space<vmem>> -> memref<1x128xi32, #tpu.memory_space<vmem>>
        %dma_wait3A_108 = tpu.memref_squeeze %dma_wait3A_107 : memref<1x128xi32, #tpu.memory_space<vmem>> -> memref<128xi32, #tpu.memory_space<vmem>>
        %dma_wait3A_109 = arith.constant 0 : i32
        %dma_wait3A_110 = arith.constant 0 : i32
        %dma_wait3A_111 = tpu.memref_slice %arg15[%dma_wait3A_109, %dma_wait3A_110] : memref<10240x64xf32, #tpu.memory_space<vmem_shared>> -> memref<10240x64xf32, #tpu.memory_space<vmem_shared>>
        tpu.wait_indirect_dma semaphore(%run_scoped3A_99 : memref<!tpu.dma_semaphore, #tpu.memory_space<semaphore_mem>>) src(%arg11 : memref<128x64xf32, #tpu.memory_space<vmem>>) dst(%dma_wait3A_111 : memref<10240x64xf32, #tpu.memory_space<vmem_shared>>)
        tpu.yield
      }) : () -> ()
    }
    %scan3A_20 = arith.constant 26 : i32
    %dma_wait3A = arith.constant 78 : i32
    %dma_wait3A_21 = arith.constant 0 : i32
    %dma_wait3A_22 = tpu.memref_slice %arg7[%dma_wait3A, %dma_wait3A_21] : memref<80x128xi32, #tpu.memory_space<vmem>> -> memref<1x128xi32, #tpu.memory_space<vmem>>
    %dma_wait3A_23 = tpu.memref_squeeze %dma_wait3A_22 : memref<1x128xi32, #tpu.memory_space<vmem>> -> memref<128xi32, #tpu.memory_space<vmem>>
    %dma_wait3A_24 = arith.constant 0 : i32
    %dma_wait3A_25 = arith.constant 0 : i32
    %dma_wait3A_26 = tpu.memref_slice %arg2[%dma_wait3A_24, %dma_wait3A_25] : memref<10000x64xf32, #tpu.memory_space<hbm>> -> memref<10000x64xf32, #tpu.memory_space<hbm>>
    tpu.wait_indirect_dma semaphore(%arg12 : memref<!tpu.dma_semaphore, #tpu.memory_space<semaphore_mem>>) src(%dma_wait3A_26 : memref<10000x64xf32, #tpu.memory_space<hbm>>) dst(%arg9 : memref<128x64xf32, #tpu.memory_space<vmem>>)
    %run_scoped3A = arith.constant 78 : i32
    "tpu.region"() ({
      %run_scoped3A_36 = tpu.sem_alloc : memref<!tpu.dma_semaphore, #tpu.memory_space<semaphore_mem>>
      %dma_start3A_37 = arith.constant 0 : i32
      %dma_start3A_38 = tpu.memref_slice %arg8[%run_scoped3A, %dma_start3A_37] : memref<80x128xi32, #tpu.memory_space<vmem>> -> memref<1x128xi32, #tpu.memory_space<vmem>>
      %dma_start3A_39 = tpu.memref_squeeze %dma_start3A_38 : memref<1x128xi32, #tpu.memory_space<vmem>> -> memref<128xi32, #tpu.memory_space<vmem>>
      %dma_start3A_40 = arith.constant 0 : i32
      %dma_start3A_41 = arith.constant 0 : i32
      %dma_start3A_42 = tpu.memref_slice %arg15[%dma_start3A_40, %dma_start3A_41] : memref<10240x64xf32, #tpu.memory_space<vmem_shared>> -> memref<10240x64xf32, #tpu.memory_space<vmem_shared>>
      tpu.enqueue_indirect_dma source(%arg9 : memref<128x64xf32, #tpu.memory_space<vmem>>) target(%dma_start3A_42 : memref<10240x64xf32, #tpu.memory_space<vmem_shared>>) offsets(%dma_start3A_39 : memref<128xi32, #tpu.memory_space<vmem>>) semaphore(%run_scoped3A_36 : memref<!tpu.dma_semaphore, #tpu.memory_space<semaphore_mem>>) {add = true}
      %dma_wait3A_43 = arith.constant 0 : i32
      %dma_wait3A_44 = tpu.memref_slice %arg8[%run_scoped3A, %dma_wait3A_43] : memref<80x128xi32, #tpu.memory_space<vmem>> -> memref<1x128xi32, #tpu.memory_space<vmem>>
      %dma_wait3A_45 = tpu.memref_squeeze %dma_wait3A_44 : memref<1x128xi32, #tpu.memory_space<vmem>> -> memref<128xi32, #tpu.memory_space<vmem>>
      %dma_wait3A_46 = arith.constant 0 : i32
      %dma_wait3A_47 = arith.constant 0 : i32
      %dma_wait3A_48 = tpu.memref_slice %arg15[%dma_wait3A_46, %dma_wait3A_47] : memref<10240x64xf32, #tpu.memory_space<vmem_shared>> -> memref<10240x64xf32, #tpu.memory_space<vmem_shared>>
      tpu.wait_indirect_dma semaphore(%run_scoped3A_36 : memref<!tpu.dma_semaphore, #tpu.memory_space<semaphore_mem>>) src(%arg9 : memref<128x64xf32, #tpu.memory_space<vmem>>) dst(%dma_wait3A_48 : memref<10240x64xf32, #tpu.memory_space<vmem_shared>>)
      tpu.yield
    }) : () -> ()
    %dma_wait3A_27 = arith.constant 79 : i32
    %dma_wait3A_28 = arith.constant 0 : i32
    %dma_wait3A_29 = tpu.memref_slice %arg7[%dma_wait3A_27, %dma_wait3A_28] : memref<80x128xi32, #tpu.memory_space<vmem>> -> memref<1x128xi32, #tpu.memory_space<vmem>>
    %dma_wait3A_30 = tpu.memref_squeeze %dma_wait3A_29 : memref<1x128xi32, #tpu.memory_space<vmem>> -> memref<128xi32, #tpu.memory_space<vmem>>
    %dma_wait3A_31 = arith.constant 0 : i32
    %dma_wait3A_32 = arith.constant 0 : i32
    %dma_wait3A_33 = tpu.memref_slice %arg2[%dma_wait3A_31, %dma_wait3A_32] : memref<10000x64xf32, #tpu.memory_space<hbm>> -> memref<10000x64xf32, #tpu.memory_space<hbm>>
    tpu.wait_indirect_dma semaphore(%arg13 : memref<!tpu.dma_semaphore, #tpu.memory_space<semaphore_mem>>) src(%dma_wait3A_33 : memref<10000x64xf32, #tpu.memory_space<hbm>>) dst(%arg10 : memref<128x64xf32, #tpu.memory_space<vmem>>)
    %run_scoped3A_34 = arith.constant 79 : i32
    "tpu.region"() ({
      %run_scoped3A_36 = tpu.sem_alloc : memref<!tpu.dma_semaphore, #tpu.memory_space<semaphore_mem>>
      %dma_start3A_37 = arith.constant 0 : i32
      %dma_start3A_38 = tpu.memref_slice %arg8[%run_scoped3A_34, %dma_start3A_37] : memref<80x128xi32, #tpu.memory_space<vmem>> -> memref<1x128xi32, #tpu.memory_space<vmem>>
      %dma_start3A_39 = tpu.memref_squeeze %dma_start3A_38 : memref<1x128xi32, #tpu.memory_space<vmem>> -> memref<128xi32, #tpu.memory_space<vmem>>
      %dma_start3A_40 = arith.constant 0 : i32
      %dma_start3A_41 = arith.constant 0 : i32
      %dma_start3A_42 = tpu.memref_slice %arg15[%dma_start3A_40, %dma_start3A_41] : memref<10240x64xf32, #tpu.memory_space<vmem_shared>> -> memref<10240x64xf32, #tpu.memory_space<vmem_shared>>
      tpu.enqueue_indirect_dma source(%arg10 : memref<128x64xf32, #tpu.memory_space<vmem>>) target(%dma_start3A_42 : memref<10240x64xf32, #tpu.memory_space<vmem_shared>>) offsets(%dma_start3A_39 : memref<128xi32, #tpu.memory_space<vmem>>) semaphore(%run_scoped3A_36 : memref<!tpu.dma_semaphore, #tpu.memory_space<semaphore_mem>>) {add = true}
      %dma_wait3A_43 = arith.constant 0 : i32
      %dma_wait3A_44 = tpu.memref_slice %arg8[%run_scoped3A_34, %dma_wait3A_43] : memref<80x128xi32, #tpu.memory_space<vmem>> -> memref<1x128xi32, #tpu.memory_space<vmem>>
      %dma_wait3A_45 = tpu.memref_squeeze %dma_wait3A_44 : memref<1x128xi32, #tpu.memory_space<vmem>> -> memref<128xi32, #tpu.memory_space<vmem>>
      %dma_wait3A_46 = arith.constant 0 : i32
      %dma_wait3A_47 = arith.constant 0 : i32
      %dma_wait3A_48 = tpu.memref_slice %arg15[%dma_wait3A_46, %dma_wait3A_47] : memref<10240x64xf32, #tpu.memory_space<vmem_shared>> -> memref<10240x64xf32, #tpu.memory_space<vmem_shared>>
      tpu.wait_indirect_dma semaphore(%run_scoped3A_36 : memref<!tpu.dma_semaphore, #tpu.memory_space<semaphore_mem>>) src(%arg10 : memref<128x64xf32, #tpu.memory_space<vmem>>) dst(%dma_wait3A_48 : memref<10240x64xf32, #tpu.memory_space<vmem_shared>>)
      tpu.yield
    }) : () -> ()
    %barrier3A_35 = arith.constant 0 : index
    tpu.barrier barrier_id(%barrier3A_35)
    "tpu.region"() ({
      %run_scoped3A_36 = tpu.sem_alloc : memref<!tpu.dma_semaphore, #tpu.memory_space<semaphore_mem>>
      %dma_start3A_37 = arith.constant 0 : i32
      %dma_start3A_38 = tpu.memref_slice %arg6[%arg0, %mul3A_2, %dma_start3A_37] : memref<2x10240x64xf32, #tpu.memory_space<hbm>> -> memref<1x640x64xf32, #tpu.memory_space<hbm>>
      %dma_start3A_39 = tpu.memref_squeeze %dma_start3A_38 : memref<1x640x64xf32, #tpu.memory_space<hbm>> -> memref<640x64xf32, #tpu.memory_space<hbm>>
      %dma_start3A_40 = arith.constant 0 : i32
      %dma_start3A_41 = tpu.memref_slice %arg15[%mul3A_2, %dma_start3A_40] : memref<10240x64xf32, #tpu.memory_space<vmem_shared>> -> memref<640x64xf32, #tpu.memory_space<vmem_shared>>
      tpu.enqueue_dma source(%dma_start3A_41 : memref<640x64xf32, #tpu.memory_space<vmem_shared>>) target(%dma_start3A_39 : memref<640x64xf32, #tpu.memory_space<hbm>>) target_semaphore(%run_scoped3A_36 : memref<!tpu.dma_semaphore, #tpu.memory_space<semaphore_mem>>)
      %dma_wait3A_42 = arith.constant 0 : i32
      %dma_wait3A_43 = tpu.memref_slice %arg6[%arg0, %mul3A_2, %dma_wait3A_42] : memref<2x10240x64xf32, #tpu.memory_space<hbm>> -> memref<1x640x64xf32, #tpu.memory_space<hbm>>
      %dma_wait3A_44 = tpu.memref_squeeze %dma_wait3A_43 : memref<1x640x64xf32, #tpu.memory_space<hbm>> -> memref<640x64xf32, #tpu.memory_space<hbm>>
      %dma_wait3A_45 = arith.constant 0 : i32
      %dma_wait3A_46 = tpu.memref_slice %arg15[%mul3A_2, %dma_wait3A_45] : memref<10240x64xf32, #tpu.memory_space<vmem_shared>> -> memref<640x64xf32, #tpu.memory_space<vmem_shared>>
      tpu.wait_dma2 semaphore(%run_scoped3A_36 : memref<!tpu.dma_semaphore, #tpu.memory_space<semaphore_mem>>) src(%dma_wait3A_46 : memref<640x64xf32, #tpu.memory_space<vmem_shared>>) dst(%dma_wait3A_44 : memref<640x64xf32, #tpu.memory_space<hbm>>)
      tpu.yield
    }) : () -> ()
    return
  }
}

module attributes {stable_mosaic.version = 14 : i64} {
  func.func @_mm_body(%arg0: i32, %arg1: memref<1000x128xf32, #tpu.memory_space<vmem>>, %arg2: memref<128x64xf32, #tpu.memory_space<vmem>>, %arg3: memref<1000x64xf32, #tpu.memory_space<vmem>>) attributes {dimension_semantics = [#tpu.dimension_semantics<arbitrary>], iteration_bounds = array<i64: 10>, scalar_prefetch = 0 : i64, scratch_operands = 0 : i64, tpu.core_type = #tpu.core_type<tc>, window_params = [{transform_indices = @transform_0, window_bounds = array<i64: 1000, 128>}, {pipeline_mode = #tpu.pipeline_mode<synchronous>, transform_indices = @transform_1, window_bounds = array<i64: 128, 64>}, {transform_indices = @transform_2, window_bounds = array<i64: 1000, 64>}]} {
    %get3A = arith.constant 0 : index
    %get3A_0 = arith.constant 0 : index
    %get3A_1 = vector.load %arg1[%get3A, %get3A_0] : memref<1000x128xf32, #tpu.memory_space<vmem>>, vector<1000x128xf32>
    %get3A_2 = arith.constant 0 : index
    %get3A_3 = arith.constant 0 : index
    %get3A_4 = vector.load %arg2[%get3A_2, %get3A_3] : memref<128x64xf32, #tpu.memory_space<vmem>>, vector<128x64xf32>
    %dot_general3A = arith.constant dense<0.000000e+00> : vector<1000x64xf32>
    %dot_general3A_5 = tpu.matmul %get3A_1, %get3A_4, %dot_general3A {dimension_numbers = #tpu.dot_dimension_numbers<[1], [0], [0], [1], [0, 0, 1, 1], [], []>, transpose_lhs_hint = false} : vector<1000x128xf32>, vector<128x64xf32>, vector<1000x64xf32> -> vector<1000x64xf32>
    %swap3A = arith.constant 0 : index
    %swap3A_6 = arith.constant 0 : index
    %swap3A_7 = vector.load %arg3[%swap3A, %swap3A_6] : memref<1000x64xf32, #tpu.memory_space<vmem>>, vector<1000x64xf32>
    tpu.vector_store %arg3[%swap3A, %swap3A_6], %dot_general3A_5 {strides = array<i32>} : memref<1000x64xf32, #tpu.memory_space<vmem>>, vector<1000x64xf32>,
    return
  }
  func.func @transform_0(%arg0: i32) -> (i32, i32) {
    %c0_i32 = arith.constant 0 : i32
    %c0_i32_0 = arith.constant 0 : i32
    return %arg0, %c0_i32 : i32, i32
  }
  func.func @transform_1(%arg0: i32) -> (i32, i32) {
    %c0_i32 = arith.constant 0 : i32
    %c0_i32_0 = arith.constant 0 : i32
    %c0_i32_1 = arith.constant 0 : i32
    return %c0_i32, %c0_i32_0 : i32, i32
  }
  func.func @transform_2(%arg0: i32) -> (i32, i32) {
    %c0_i32 = arith.constant 0 : i32
    %c0_i32_0 = arith.constant 0 : i32
    return %arg0, %c0_i32 : i32, i32
  }
}

module attributes {stable_mosaic.version = 14 : i64} {
  func.func @_tc1_body(%arg0: i32, %arg1: memref<2x1000x16xf32, #tpu.memory_space<vmem>>, %arg2: memref<1000x64xf32, #tpu.memory_space<vmem>>, %arg3: memref<1000x64xf32, #tpu.memory_space<vmem>>) attributes {dimension_semantics = [#tpu.dimension_semantics<arbitrary>], iteration_bounds = array<i64: 10>, scalar_prefetch = 0 : i64, scratch_operands = 0 : i64, tpu.core_type = #tpu.core_type<tc>, window_params = [{transform_indices = @transform_0, window_bounds = array<i64: 2, 1000, 16>}, {transform_indices = @transform_1, window_bounds = array<i64: 1000, 64>}, {transform_indices = @transform_2, window_bounds = array<i64: 1000, 64>}]} {
    %get3A = arith.constant 0 : index
    %get3A_0 = arith.constant 0 : index
    %get3A_1 = vector.load %arg2[%get3A, %get3A_0] : memref<1000x64xf32, #tpu.memory_space<vmem>>, vector<1000x64xf32>
    %get3A_2 = arith.constant 0 : index
    %get3A_3 = arith.constant 0 : index
    %get3A_4 = arith.constant 0 : index
    %get3A_5 = vector.load %arg1[%get3A_2, %get3A_3, %get3A_4] : memref<2x1000x16xf32, #tpu.memory_space<vmem>>, vector<1x1000x1xf32>
    %get3A_6 = vector.shape_cast %get3A_5 : vector<1x1000x1xf32> to vector<1000x1xf32>
    %get3A_7 = arith.constant 1 : index
    %get3A_8 = arith.constant 0 : index
    %get3A_9 = arith.constant 0 : index
    %get3A_10 = vector.load %arg1[%get3A_7, %get3A_8, %get3A_9] : memref<2x1000x16xf32, #tpu.memory_space<vmem>>, vector<1x1000x1xf32>
    %get3A_11 = vector.shape_cast %get3A_10 : vector<1x1000x1xf32> to vector<1000x1xf32>
    %add3A = arith.addf %get3A_6, %get3A_11 : vector<1000x1xf32>
    %add3A_12 = arith.constant 1.000000e+00 : f32
    %add3A_13 = vector.broadcast %add3A_12 : f32 to vector<1000x1xf32>
    %add3A_14 = arith.addf %add3A, %add3A_13 : vector<1000x1xf32>
    %rsqrt3A = math.rsqrt %add3A_14 : vector<1000x1xf32>
    %mul3A = vector.broadcast %rsqrt3A : vector<1000x1xf32> to vector<1000x64xf32>
    %mul3A_15 = arith.mulf %get3A_1, %mul3A : vector<1000x64xf32>
    %swap3A = arith.constant 0 : index
    %swap3A_16 = arith.constant 0 : index
    %swap3A_17 = vector.load %arg3[%swap3A, %swap3A_16] : memref<1000x64xf32, #tpu.memory_space<vmem>>, vector<1000x64xf32>
    tpu.vector_store %arg3[%swap3A, %swap3A_16], %mul3A_15 {strides = array<i32>} : memref<1000x64xf32, #tpu.memory_space<vmem>>, vector<1000x64xf32>,
    return
  }
  func.func @transform_0(%arg0: i32) -> (i32, i32, i32) {
    %c0_i32 = arith.constant 0 : i32
    %c0_i32_0 = arith.constant 0 : i32
    %c0_i32_1 = arith.constant 0 : i32
    return %c0_i32, %arg0, %c0_i32_0 : i32, i32, i32
  }
  func.func @transform_1(%arg0: i32) -> (i32, i32) {
    %c0_i32 = arith.constant 0 : i32
    %c0_i32_0 = arith.constant 0 : i32
    return %arg0, %c0_i32 : i32, i32
  }
  func.func @transform_2(%arg0: i32) -> (i32, i32) {
    %c0_i32 = arith.constant 0 : i32
    %c0_i32_0 = arith.constant 0 : i32
    return %arg0, %c0_i32 : i32, i32
  }
}

module attributes {stable_mosaic.version = 14 : i64} {
  func.func @_tc3_body(%arg0: i32, %arg1: memref<2x1000x16xf32, #tpu.memory_space<vmem>>, %arg2: memref<2x1000x64xf32, #tpu.memory_space<vmem>>, %arg3: memref<1000x64xf32, #tpu.memory_space<vmem>>, %arg4: memref<1x64xf32, #tpu.memory_space<vmem>>, %arg5: memref<64x32xf32, #tpu.memory_space<vmem>>, %arg6: memref<1x32xf32, #tpu.memory_space<vmem>>, %arg7: memref<1000x32xf32, #tpu.memory_space<vmem>>) attributes {dimension_semantics = [#tpu.dimension_semantics<arbitrary>], iteration_bounds = array<i64: 10>, scalar_prefetch = 0 : i64, scratch_operands = 0 : i64, tpu.core_type = #tpu.core_type<tc>, window_params = [{transform_indices = @transform_0, window_bounds = array<i64: 2, 1000, 16>}, {transform_indices = @transform_1, window_bounds = array<i64: 2, 1000, 64>}, {transform_indices = @transform_2, window_bounds = array<i64: 1000, 64>}, {pipeline_mode = #tpu.pipeline_mode<synchronous>, transform_indices = @transform_3, window_bounds = array<i64: 1, 64>}, {pipeline_mode = #tpu.pipeline_mode<synchronous>, transform_indices = @transform_4, window_bounds = array<i64: 64, 32>}, {pipeline_mode = #tpu.pipeline_mode<synchronous>, transform_indices = @transform_5, window_bounds = array<i64: 1, 32>}, {transform_indices = @transform_6, window_bounds = array<i64: 1000, 32>}]} {
    %get3A = arith.constant 0 : index
    %get3A_0 = arith.constant 0 : index
    %get3A_1 = arith.constant 0 : index
    %get3A_2 = vector.load %arg1[%get3A, %get3A_0, %get3A_1] : memref<2x1000x16xf32, #tpu.memory_space<vmem>>, vector<1x1000x1xf32>
    %get3A_3 = vector.shape_cast %get3A_2 : vector<1x1000x1xf32> to vector<1000x1xf32>
    %get3A_4 = arith.constant 1 : index
    %get3A_5 = arith.constant 0 : index
    %get3A_6 = arith.constant 0 : index
    %get3A_7 = vector.load %arg1[%get3A_4, %get3A_5, %get3A_6] : memref<2x1000x16xf32, #tpu.memory_space<vmem>>, vector<1x1000x1xf32>
    %get3A_8 = vector.shape_cast %get3A_7 : vector<1x1000x1xf32> to vector<1000x1xf32>
    %add3A = arith.addf %get3A_3, %get3A_8 : vector<1000x1xf32>
    %add3A_9 = arith.constant 1.000000e+00 : f32
    %add3A_10 = vector.broadcast %add3A_9 : f32 to vector<1000x1xf32>
    %add3A_11 = arith.addf %add3A, %add3A_10 : vector<1000x1xf32>
    %rsqrt3A = math.rsqrt %add3A_11 : vector<1000x1xf32>
    %get3A_12 = arith.constant 0 : index
    %get3A_13 = arith.constant 0 : index
    %get3A_14 = arith.constant 0 : index
    %get3A_15 = vector.load %arg2[%get3A_12, %get3A_13, %get3A_14] : memref<2x1000x64xf32, #tpu.memory_space<vmem>>, vector<1x1000x64xf32>
    %get3A_16 = vector.shape_cast %get3A_15 : vector<1x1000x64xf32> to vector<1000x64xf32>
    %get3A_17 = arith.constant 1 : index
    %get3A_18 = arith.constant 0 : index
    %get3A_19 = arith.constant 0 : index
    %get3A_20 = vector.load %arg2[%get3A_17, %get3A_18, %get3A_19] : memref<2x1000x64xf32, #tpu.memory_space<vmem>>, vector<1x1000x64xf32>
    %get3A_21 = vector.shape_cast %get3A_20 : vector<1x1000x64xf32> to vector<1000x64xf32>
    %add3A_22 = arith.addf %get3A_16, %get3A_21 : vector<1000x64xf32>
    %get3A_23 = arith.constant 0 : index
    %get3A_24 = arith.constant 0 : index
    %get3A_25 = vector.load %arg3[%get3A_23, %get3A_24] : memref<1000x64xf32, #tpu.memory_space<vmem>>, vector<1000x64xf32>
    %add3A_26 = arith.addf %add3A_22, %get3A_25 : vector<1000x64xf32>
    %mul3A = vector.broadcast %rsqrt3A : vector<1000x1xf32> to vector<1000x64xf32>
    %mul3A_27 = arith.mulf %add3A_26, %mul3A : vector<1000x64xf32>
    %get3A_28 = arith.constant 0 : index
    %get3A_29 = arith.constant 0 : index
    %get3A_30 = vector.load %arg4[%get3A_28, %get3A_29] : memref<1x64xf32, #tpu.memory_space<vmem>>, vector<1x64xf32>
    %add3A_31 = vector.broadcast %get3A_30 : vector<1x64xf32> to vector<1000x64xf32>
    %add3A_32 = arith.addf %mul3A_27, %add3A_31 : vector<1000x64xf32>
    %max3A = arith.constant 0.000000e+00 : f32
    %max3A_33 = vector.broadcast %max3A : f32 to vector<1000x64xf32>
    %max3A_34 = arith.maximumf %add3A_32, %max3A_33 : vector<1000x64xf32>
    %get3A_35 = arith.constant 0 : index
    %get3A_36 = arith.constant 0 : index
    %get3A_37 = vector.load %arg5[%get3A_35, %get3A_36] : memref<64x32xf32, #tpu.memory_space<vmem>>, vector<64x32xf32>
    %dot_general3A = arith.constant dense<0.000000e+00> : vector<1000x32xf32>
    %dot_general3A_38 = tpu.matmul %max3A_34, %get3A_37, %dot_general3A {dimension_numbers = #tpu.dot_dimension_numbers<[1], [0], [0], [1], [0, 0, 1, 1], [], []>, transpose_lhs_hint = false} : vector<1000x64xf32>, vector<64x32xf32>, vector<1000x32xf32> -> vector<1000x32xf32>
    %get3A_39 = arith.constant 0 : index
    %get3A_40 = arith.constant 0 : index
    %get3A_41 = vector.load %arg6[%get3A_39, %get3A_40] : memref<1x32xf32, #tpu.memory_space<vmem>>, vector<1x32xf32>
    %add3A_42 = vector.broadcast %get3A_41 : vector<1x32xf32> to vector<1000x32xf32>
    %add3A_43 = arith.addf %dot_general3A_38, %add3A_42 : vector<1000x32xf32>
    %swap3A = arith.constant 0 : index
    %swap3A_44 = arith.constant 0 : index
    %swap3A_45 = vector.load %arg7[%swap3A, %swap3A_44] : memref<1000x32xf32, #tpu.memory_space<vmem>>, vector<1000x32xf32>
    tpu.vector_store %arg7[%swap3A, %swap3A_44], %add3A_43 {strides = array<i32>} : memref<1000x32xf32, #tpu.memory_space<vmem>>, vector<1000x32xf32>,
    return
  }
  func.func @transform_0(%arg0: i32) -> (i32, i32, i32) {
    %c0_i32 = arith.constant 0 : i32
    %c0_i32_0 = arith.constant 0 : i32
    %c0_i32_1 = arith.constant 0 : i32
    return %c0_i32, %arg0, %c0_i32_0 : i32, i32, i32
  }
  func.func @transform_1(%arg0: i32) -> (i32, i32, i32) {
    %c0_i32 = arith.constant 0 : i32
    %c0_i32_0 = arith.constant 0 : i32
    %c0_i32_1 = arith.constant 0 : i32
    return %c0_i32, %arg0, %c0_i32_0 : i32, i32, i32
  }
  func.func @transform_2(%arg0: i32) -> (i32, i32) {
    %c0_i32 = arith.constant 0 : i32
    %c0_i32_0 = arith.constant 0 : i32
    return %arg0, %c0_i32 : i32, i32
  }
  func.func @transform_3(%arg0: i32) -> (i32, i32) {
    %c0_i32 = arith.constant 0 : i32
    %c0_i32_0 = arith.constant 0 : i32
    %c0_i32_1 = arith.constant 0 : i32
    return %c0_i32, %c0_i32_0 : i32, i32
  }
  func.func @transform_4(%arg0: i32) -> (i32, i32) {
    %c0_i32 = arith.constant 0 : i32
    %c0_i32_0 = arith.constant 0 : i32
    %c0_i32_1 = arith.constant 0 : i32
    return %c0_i32, %c0_i32_0 : i32, i32
  }
  func.func @transform_5(%arg0: i32) -> (i32, i32) {
    %c0_i32 = arith.constant 0 : i32
    %c0_i32_0 = arith.constant 0 : i32
    %c0_i32_1 = arith.constant 0 : i32
    return %c0_i32, %c0_i32_0 : i32, i32
  }
  func.func @transform_6(%arg0: i32) -> (i32, i32) {
    %c0_i32 = arith.constant 0 : i32
    %c0_i32_0 = arith.constant 0 : i32
    return %arg0, %c0_i32 : i32, i32
  }
}

module attributes {stable_mosaic.version = 14 : i64} {
  func.func @_tc2_body(%arg0: i32, %arg1: memref<2x1000x16xf32, #tpu.memory_space<vmem>>, %arg2: memref<2x1000x64xf32, #tpu.memory_space<vmem>>, %arg3: memref<1000x64xf32, #tpu.memory_space<vmem>>, %arg4: memref<1x64xf32, #tpu.memory_space<vmem>>, %arg5: memref<64x64xf32, #tpu.memory_space<vmem>>, %arg6: memref<1000x64xf32, #tpu.memory_space<vmem>>) attributes {dimension_semantics = [#tpu.dimension_semantics<arbitrary>], iteration_bounds = array<i64: 10>, scalar_prefetch = 0 : i64, scratch_operands = 0 : i64, tpu.core_type = #tpu.core_type<tc>, window_params = [{transform_indices = @transform_0, window_bounds = array<i64: 2, 1000, 16>}, {transform_indices = @transform_1, window_bounds = array<i64: 2, 1000, 64>}, {transform_indices = @transform_2, window_bounds = array<i64: 1000, 64>}, {pipeline_mode = #tpu.pipeline_mode<synchronous>, transform_indices = @transform_3, window_bounds = array<i64: 1, 64>}, {pipeline_mode = #tpu.pipeline_mode<synchronous>, transform_indices = @transform_4, window_bounds = array<i64: 64, 64>}, {transform_indices = @transform_5, window_bounds = array<i64: 1000, 64>}]} {
    %get3A = arith.constant 0 : index
    %get3A_0 = arith.constant 0 : index
    %get3A_1 = arith.constant 0 : index
    %get3A_2 = vector.load %arg1[%get3A, %get3A_0, %get3A_1] : memref<2x1000x16xf32, #tpu.memory_space<vmem>>, vector<1x1000x1xf32>
    %get3A_3 = vector.shape_cast %get3A_2 : vector<1x1000x1xf32> to vector<1000x1xf32>
    %get3A_4 = arith.constant 1 : index
    %get3A_5 = arith.constant 0 : index
    %get3A_6 = arith.constant 0 : index
    %get3A_7 = vector.load %arg1[%get3A_4, %get3A_5, %get3A_6] : memref<2x1000x16xf32, #tpu.memory_space<vmem>>, vector<1x1000x1xf32>
    %get3A_8 = vector.shape_cast %get3A_7 : vector<1x1000x1xf32> to vector<1000x1xf32>
    %add3A = arith.addf %get3A_3, %get3A_8 : vector<1000x1xf32>
    %add3A_9 = arith.constant 1.000000e+00 : f32
    %add3A_10 = vector.broadcast %add3A_9 : f32 to vector<1000x1xf32>
    %add3A_11 = arith.addf %add3A, %add3A_10 : vector<1000x1xf32>
    %rsqrt3A = math.rsqrt %add3A_11 : vector<1000x1xf32>
    %get3A_12 = arith.constant 0 : index
    %get3A_13 = arith.constant 0 : index
    %get3A_14 = arith.constant 0 : index
    %get3A_15 = vector.load %arg2[%get3A_12, %get3A_13, %get3A_14] : memref<2x1000x64xf32, #tpu.memory_space<vmem>>, vector<1x1000x64xf32>
    %get3A_16 = vector.shape_cast %get3A_15 : vector<1x1000x64xf32> to vector<1000x64xf32>
    %get3A_17 = arith.constant 1 : index
    %get3A_18 = arith.constant 0 : index
    %get3A_19 = arith.constant 0 : index
    %get3A_20 = vector.load %arg2[%get3A_17, %get3A_18, %get3A_19] : memref<2x1000x64xf32, #tpu.memory_space<vmem>>, vector<1x1000x64xf32>
    %get3A_21 = vector.shape_cast %get3A_20 : vector<1x1000x64xf32> to vector<1000x64xf32>
    %add3A_22 = arith.addf %get3A_16, %get3A_21 : vector<1000x64xf32>
    %get3A_23 = arith.constant 0 : index
    %get3A_24 = arith.constant 0 : index
    %get3A_25 = vector.load %arg3[%get3A_23, %get3A_24] : memref<1000x64xf32, #tpu.memory_space<vmem>>, vector<1000x64xf32>
    %add3A_26 = arith.addf %add3A_22, %get3A_25 : vector<1000x64xf32>
    %mul3A = vector.broadcast %rsqrt3A : vector<1000x1xf32> to vector<1000x64xf32>
    %mul3A_27 = arith.mulf %add3A_26, %mul3A : vector<1000x64xf32>
    %get3A_28 = arith.constant 0 : index
    %get3A_29 = arith.constant 0 : index
    %get3A_30 = vector.load %arg4[%get3A_28, %get3A_29] : memref<1x64xf32, #tpu.memory_space<vmem>>, vector<1x64xf32>
    %add3A_31 = vector.broadcast %get3A_30 : vector<1x64xf32> to vector<1000x64xf32>
    %add3A_32 = arith.addf %mul3A_27, %add3A_31 : vector<1000x64xf32>
    %max3A = arith.constant 0.000000e+00 : f32
    %max3A_33 = vector.broadcast %max3A : f32 to vector<1000x64xf32>
    %max3A_34 = arith.maximumf %add3A_32, %max3A_33 : vector<1000x64xf32>
    %get3A_35 = arith.constant 0 : index
    %get3A_36 = arith.constant 0 : index
    %get3A_37 = vector.load %arg5[%get3A_35, %get3A_36] : memref<64x64xf32, #tpu.memory_space<vmem>>, vector<64x64xf32>
    %dot_general3A = arith.constant dense<0.000000e+00> : vector<1000x64xf32>
    %dot_general3A_38 = tpu.matmul %max3A_34, %get3A_37, %dot_general3A {dimension_numbers = #tpu.dot_dimension_numbers<[1], [0], [0], [1], [0, 0, 1, 1], [], []>, transpose_lhs_hint = false} : vector<1000x64xf32>, vector<64x64xf32>, vector<1000x64xf32> -> vector<1000x64xf32>
    %mul3A_39 = vector.broadcast %rsqrt3A : vector<1000x1xf32> to vector<1000x64xf32>
    %mul3A_40 = arith.mulf %dot_general3A_38, %mul3A_39 : vector<1000x64xf32>
    %swap3A = arith.constant 0 : index
    %swap3A_41 = arith.constant 0 : index
    %swap3A_42 = vector.load %arg6[%swap3A, %swap3A_41] : memref<1000x64xf32, #tpu.memory_space<vmem>>, vector<1000x64xf32>
    tpu.vector_store %arg6[%swap3A, %swap3A_41], %mul3A_40 {strides = array<i32>} : memref<1000x64xf32, #tpu.memory_space<vmem>>, vector<1000x64xf32>,
    return
  }
  func.func @transform_0(%arg0: i32) -> (i32, i32, i32) {
    %c0_i32 = arith.constant 0 : i32
    %c0_i32_0 = arith.constant 0 : i32
    %c0_i32_1 = arith.constant 0 : i32
    return %c0_i32, %arg0, %c0_i32_0 : i32, i32, i32
  }
  func.func @transform_1(%arg0: i32) -> (i32, i32, i32) {
    %c0_i32 = arith.constant 0 : i32
    %c0_i32_0 = arith.constant 0 : i32
    %c0_i32_1 = arith.constant 0 : i32
    return %c0_i32, %arg0, %c0_i32_0 : i32, i32, i32
  }
  func.func @transform_2(%arg0: i32) -> (i32, i32) {
    %c0_i32 = arith.constant 0 : i32
    %c0_i32_0 = arith.constant 0 : i32
    return %arg0, %c0_i32 : i32, i32
  }
  func.func @transform_3(%arg0: i32) -> (i32, i32) {
    %c0_i32 = arith.constant 0 : i32
    %c0_i32_0 = arith.constant 0 : i32
    %c0_i32_1 = arith.constant 0 : i32
    return %c0_i32, %c0_i32_0 : i32, i32
  }
  func.func @transform_4(%arg0: i32) -> (i32, i32) {
    %c0_i32 = arith.constant 0 : i32
    %c0_i32_0 = arith.constant 0 : i32
    %c0_i32_1 = arith.constant 0 : i32
    return %c0_i32, %c0_i32_0 : i32, i32
  }
  func.func @transform_5(%arg0: i32) -> (i32, i32) {
    %c0_i32 = arith.constant 0 : i32
    %c0_i32_0 = arith.constant 0 : i32
    return %arg0, %c0_i32 : i32, i32
  }
}

</mosaic_0001>

<sc_bundles>
// kernel: kernel.12.cloned.1.call-start
scs
__scs_entry_jumppad:
0x0: {  	(pc) =	sbr.rel $0x88, $3  }
0x1: {  	(tag) =	ssettag $0x0;
	lr =	simm.s32 $0x1  }
0x2: {  	[smem:$0x3F99] =	sst lr;
	_ =	strace $0xD0000000  }
0x3: {  	_ = 	snop  }
0x4: {  	_ = 	snop  }
0x5: {  	_ = 	snop  }
0x6: {  	_ = 	snop  }
0x7: {  	_ = 	snop  }
__scs_overlays_trampoline_lowered:
0x8: {  	[smem:$0x3FA8] =	sst s0  }
0x9: {  	[smem:$0x3FA9] =	sst s1  }
0xa: {  	[smem:$0x3FAA] =	sst s2  }
0xb: {  	[smem:$0x3FAB] =	sst s3  }
0xc: {  	[smem:$0x3FAC] =	sst s4  }
0xd: {  	[smem:$0x3FAD] =	sst s5  }
0xe: {  	[smem:$0x3FAE] =	sst s6  }
0xf: {  	[smem:$0x3FAF] =	sst s7  }
0x10: {  	[smem:$0x3FB0] =	sst s8  }
0x11: {  	[smem:$0x3FB1] =	sst s9;
	s0 =	simm.s32 @!p0 $0x0  }
0x12: {  	s1 =	sld [smem:$0x3F97];
	s0 =	simm.s32 @p0 $0x1  }
0x13: {  	[smem:$0x3FB2] =	sst s0;
	s0 =	simm.s32 @!p1 $0x0  }
0x14: {  	s2 =	sld [smem:$0x3F96];
	s0 =	simm.s32 @p1 $0x1  }
0x15: {  	[smem:$0x3FB3] =	sst s0;
	s0 =	simm.s32 @!p2 $0x0  }
0x16: {  	s3 =	sld [smem:$0x3FDB];
	s0 =	simm.s32 @p2 $0x1  }
0x17: {  	s4 =	simm.s32 $0x1BF5;
	[smem:$0x3FB5] =	sst s0  }
0x18: {  	s0 =	sld [smem:$0x3F98];
	_ =	swait.ge [sflag:s4], $0x0  }
0x19: {  	s7 =	sld [smem:$0x3F99]  }
0x1a: {  	s8 =	sadd.s32 $0xFFFFE003, lr  }
0x1b: {  	s9 =	sadd.s32 $0xFFFFFEF7, lr;
	s5 =	simm.s32 $0xFFFFFFFF;
	p2 =	slt.u32 s8, $0xFFFFF086  }
0x1c: {  	p1 =	slt.u32 s9, $0xF7A;
	s5 =	simm.s32 @!p2 $0x0  }
0x1d: {  	s5 =	simm.s32 @p1 $0x1;
	p0 =	seq.s32 s7, s2  }
0x1e: {  	s7 =	smul.u32 @!p0 $0xF7A, s2;
	p2 =	seq.s32 @!p0 s5, $0x0  }
0x1f: {  	s9 =	smul.u32 $0xF7A, s1;
	s8 =	simm.s32 @!p0 $0x1BF5;
	p2 =	por !p2, p0  }
0x20: {  	[sflag:s8] =	ssyncset.s32 @!p0 $0xFFFFF086;
	s6 =	sadd.s32 @!p0 s3, s7;
	s7 =	simm.s32 @!p0 $0x108  }
0x21: {  	s3 =	sadd.s32 s3, s9;
	s6 =	sadd.s32 @!p0 $0x88, s6;
	s7 =	simm.s32 @p2 $0x1082  }
0x22: {  	[simem:s7], [sflag:s8] =	dma.local @!p0 [hbm:s6], $0xF7A  }
0x23: {  	s9 =	sor.u32 $0xD0000000, s2;
	s6 =	simm.s32 $0x108;
	_ =	swait.ge @!p0 [sflag:s8], $0x0  }
0x24: {  	s3 =	sadd.s32 $0x88, s3;
	s6 =	simm.s32 @!p1 $0x1082;
	[sflag:s4] =	ssyncset.s32 $0xFFFFF086  }
0x25: {  	[simem:s6], [sflag:s4] =	dma.local [hbm:s3], $0xF7A  }
0x26: {  	[smem:$0x3F99] =	sst s1;
	(tag) =	ssettag s2;
	_ =	strace s9  }
0x27: {  	s1 =	sld [smem:$0x3FA9]  }
0x28: {  	s2 =	sld [smem:$0x3FAA]  }
0x29: {  	s4 =	sld [smem:$0x3FAC]  }
0x2a: {  	p0 =	seq.s32 s5, $0x0;
	s5 =	sld [smem:$0x3FAD]  }
0x2b: {  	s6 =	sld [smem:$0x3FAE]  }
0x2c: {  	s7 =	sld [smem:$0x3FAF]  }
0x2d: {  	s3 =	simm.s32 $0x108;
	s8 =	sld [smem:$0x3FB0]  }
0x2e: {  	s3 =	simm.s32 @!p0 $0x1082;
	s9 =	sld [smem:$0x3FB1]  }
0x2f: {  	lr =	sadd.s32 s0, s3;
	s0 =	sld [smem:$0x3FA8]  }
0x30: {  	s3 =	sld [smem:$0x3FAB]  }
0x31: {  	[smem:$0x3FB4] =	sst s10  }
0x32: {  	s10 =	sld [smem:$0x3FB2];
	_ =	sdelay $0x3  }
0x33: {  	p0 =	seq.s32 s10, $0x1;
	s10 =	sld [smem:$0x3FB4];
	_ =	sdelay $0x3  }
0x34: {  	[smem:$0x3FB4] =	sst s10  }
0x35: {  	s10 =	sld [smem:$0x3FB3];
	_ =	sdelay $0x3  }
0x36: {  	p1 =	seq.s32 s10, $0x1;
	s10 =	sld [smem:$0x3FB4];
	_ =	sdelay $0x3  }
0x37: {  	[smem:$0x3FB4] =	sst s10  }
0x38: {  	s10 =	sld [smem:$0x3FB5]  }
0x39: {  	_ = 	snop;
	(pc) =	sbr.ind lr, $3  }
0x3a: {  	_ = 	snop  }
0x3b: {  	_ = 	snop  }
0x3c: {  	p2 =	seq.s32 s10, $0x1;
	s10 =	sld [smem:$0x3FB4]  }
0x3d: {  	_ =	shalt  }
0x3e: {  	_ =	shalt  }
0x3f: {  	_ =	shalt  }
0x40: {  	_ =	shalt  }
0x41: {  	_ =	shalt  }
0x42: {  	_ =	shalt  }
0x43: {  	_ =	shalt  }
0x44: {  	_ =	shalt  }
0x45: {  	_ =	shalt  }
0x46: {  	_ =	shalt  }
0x47: {  	_ =	shalt  }
0x48: {  	_ =	shalt  }
0x49: {  	_ =	shalt  }
0x4a: {  	_ =	shalt  }
0x4b: {  	_ =	shalt  }
0x4c: {  	_ =	shalt  }
0x4d: {  	_ =	shalt  }
0x4e: {  	_ =	shalt  }
0x4f: {  	_ =	shalt  }
0x50: {  	_ =	shalt  }
0x51: {  	_ =	shalt  }
0x52: {  	_ =	shalt  }
0x53: {  	_ =	shalt  }
0x54: {  	_ =	shalt  }
0x55: {  	_ =	shalt  }
0x56: {  	_ =	shalt  }
0x57: {  	_ =	shalt  }
0x58: {  	_ =	shalt  }
0x59: {  	_ =	shalt  }
0x5a: {  	_ =	shalt  }
0x5b: {  	_ =	shalt  }
0x5c: {  	_ =	shalt  }
0x5d: {  	_ =	shalt  }
0x5e: {  	_ =	shalt  }
0x5f: {  	_ =	shalt  }
0x60: {  	_ =	shalt  }
0x61: {  	_ =	shalt  }
0x62: {  	_ =	shalt  }
0x63: {  	_ =	shalt  }
0x64: {  	_ =	shalt  }
0x65: {  	_ =	shalt  }
0x66: {  	_ =	shalt  }
0x67: {  	_ =	shalt  }
0x68: {  	_ =	shalt  }
0x69: {  	_ =	shalt  }
0x6a: {  	_ =	shalt  }
0x6b: {  	_ =	shalt  }
0x6c: {  	_ =	shalt  }
0x6d: {  	_ =	shalt  }
0x6e: {  	_ =	shalt  }
0x6f: {  	_ =	shalt  }
0x70: {  	_ =	shalt  }
0x71: {  	_ =	shalt  }
0x72: {  	_ =	shalt  }
0x73: {  	_ =	shalt  }
0x74: {  	_ =	shalt  }
0x75: {  	_ =	shalt  }
0x76: {  	_ =	shalt  }
0x77: {  	_ =	shalt  }
0x78: {  	_ =	shalt  }
0x79: {  	_ =	shalt  }
0x7a: {  	_ =	shalt  }
0x7b: {  	_ =	shalt  }
0x7c: {  	_ =	shalt  }
0x7d: {  	_ =	shalt  }
0x7e: {  	_ =	shalt  }
0x7f: {  	_ =	shalt  }
0x80: {  	_ =	shalt  }
0x81: {  	_ =	shalt  }
0x82: {  	_ =	shalt  }
0x83: {  	_ =	shalt  }
0x84: {  	_ =	shalt  }
0x85: {  	_ =	shalt  }
0x86: {  	_ =	shalt  }
0x87: {  	_ =	shalt  }
.Lfunc_end0:
.L_simem_size_0:
called_computation.1_lowered:
.L_overlay_start_0:
0x88: {  	s2 =	sld [smem:$0x3FD9]  }
0x89: {  	s3 =	sld [smem:$0x3FFE];
	_ =	sdelay $0x1  }
0x8a: {  	s1 =	srdreg.scid  }
0x8b: {  	s0 =	sand.u32 $0x1, s1  }
0x8c: {  	s16 =	sshll.u32 s0, $0xA;
	s2 =	sadd.s32 s3, s2  }
0x8d: {  	s2 =	sadd.s32 s2, s16  }
0x8e: {  	[smem:$0x3FC0] =	sst s2  }
0x8f: {  	_ = 	snop  }
0x90: {  	(tm) =	ssettm $0x1  }
0x91: {  	s17 =	sld [smem:$0x3FFB];
	_ =	sdelay $0x3  }
0x92: {  	_ =	strace s17  }
0x93: {  	s2 =	sld [smem:$0x3FFC];
	_ =	sdelay $0x3  }
0x94: {  	_ =	strace s2  }
0x95: {  	s2 =	sld [smem:$0x3FFD];
	_ =	sdelay $0x3  }
0x96: {  	_ =	strace s2  }
0x97: {  	_ =	strace $0x8FFFFFFF  }
0x98: {  	s18 =	sld [smem:$0x3FDB];
	_ =	sdelay $0x1  }
0x99: {  	s19 =	simm.s32 $_scs_section_size  }
0x9a: {  	s4 =	simm.s32 $_size__tile_overlayer_lowered;
	s5 =	simm.s32 $_tile_overlayer_lowered  }
0x9b: {  	s22 =	simm.s32 $0x1BFF;
	s21 =	sshll.u32 s5, $0x1;
	s2 =	sadd.s32 s19, s18  }
0x9c: {  	s6 =	simm.s32 $0x0;
	s20 =	sshll.u32 s4, $0x1;
	s4 =	sadd.s32 s21, s2  }
0x9d: {  	[timem:s6], [sflag:s22] =	dma.local [hbm:s4], s20  }
0x9e: {  	_ =	swait.ge [sflag:s22], s20  }
0x9f: {  	s3 =	ssub.s32 $0x0, s20;
	[sflag:s22] =	ssyncset.done $0x0  }
0xa0: {  	[sflag:s22] =	ssyncadd.s32 s3;
	_ =	sdelay $0x1  }
0xa1: {  	s23 =	simm.s32 $0x1B8B  }
0xa2: {  	_ =	swait.ge [sflag:s23], $0x1  }
0xa3: {  	[sflag:s23] =	ssyncset.done $0x0  }
0xa4: {  	s25 =	simm.s32 $0x1B8E;
	s24 =	sld [smem:$0x3FFE];
	[sflag:s23] =	ssyncadd.s32 $0xFFFFFFFF  }
0xa5: {  	s26 =	simm.s32 $execute0_lowered;
	[smem:$0x3FD2] =	sst s25  }
0xa6: {  	s4 =	sshll.u32 s26, $0x1;
	_ =	strace $0x80000049;
	[dreg:$0x1] =	wrdreg $0xFFFFFFFF  }
0xa7: {  	s28 =	simm.s32 $_size_execute0_lowered;
	s2 =	sadd.s32 s2, s4;
	[dreg:$0x0] =	wrdreg $0x0  }
0xa8: {  	s4 =	sshll.u32 s28, $0x1;
	[dreg:$0x2] =	wrdreg s2  }
0xa9: {  	[dreg:$0x3] =	wrdreg s4  }
0xaa: {  	[dreg:$0x4] =	wrdreg $0xC0  }
0xab: {  	_ =	task [dreg:s6], $0x5FFFF  }
0xac: {  	[dreg:$0x1] =	wrdreg $0xFFFFFFFF  }
0xad: {  	[dreg:$0x0] =	wrdreg $0x60  }
0xae: {  	[dreg:$0x2] =	wrdreg s24  }
0xaf: {  	[dreg:$0x3] =	wrdreg $0xB0000  }
0xb0: {  	[dreg:$0x4] =	wrdreg $0x9  }
0xb1: {  	_ =	task.clear_ibuf [dreg:s6], $0x5FFFF;
	_ =	strace $0x90000049  }
0xb2: {  	s29 =	simm.s32 $0x9;
	_ =	strace $0x8000004B  }
0xb3: {  	_ =	swait.ge [sflag:s29], $0x1  }
0xb4: {  	[sflag:s29] =	ssyncadd.s32 $0xFFFFFFFF  }
0xb5: {  	_ =	strace $0x9000004B  }
0xb6: {  	_ =	sfence  }
0xb7: {  	s30 =	sld [smem:$0x0];
	_ =	sdelay $0x2  }
0xb8: {  	s31 =	sshll.u32 s1, $0xD;
	s1 =	sshrl.u32 s1, $0x2  }
0xb9: {  	s3 =	sand.u32 $0x4000, s31;
	s1 =	sadd.s32 s1, s30  }
0xba: {  	s0 =	sor.u32 s3, s0;
	s1 =	sshll.u32 s1, $0x11  }
0xbb: {  	s0 =	sor.u32 s1, s0  }
0xbc: {  	s0 =	sadd.s32 $0x8F2B, s0  }
0xbd: {  	[sflag:s0] =	ssyncadd.remote.s32 $0x1  }
0xbe: {  	_ =	sfence.sel $0xFFFF  }
0xbf: {  	[dreg:$0x0] =	wrdreg $0xFFFFFFFF;
	(pc) =	sbr.abs _section_cstart, $3  }
0xc0: {  	[dreg:$0x1] =	wrdreg $0xFFFFFFFF  }
0xc1: {  	_ =	task.clear_ibuf [dreg:s6], $0x2FFFF;
	_ =	strace $0x9FFFFFFF  }
0xc2: {  	(tm) =	ssettm $0x7FFFFFFF  }
0xc3: {  	_ =	shalt  }
tec
execute0_lowered:
.L_overlay_start_1:
0x0: {  	(tag) =	ssettag $0x1  }
0x1: {  	s6 =	rddreg [dreg:$0x0]  }
0x2: {  	s0 =	srdreg.scid;
	s2 =	rddreg [dreg:$0x1]  }
0x3: {  	s3 =	simm.s32 $0x0;
	s14 =	simm.s32 $0x80;
	s15 =	simm.s32 $0x5000  }
0x4: {  	s16 =	simm.s32 $0x7000;
	s17 =	simm.s32 $0x9000;
	s18 =	simm.s32 $0x1  }
0x5: {  	s19 =	simm.s32 $0x2;
	s20 =	simm.s32 $0x3;
	s21 =	simm.s32 $0x4F00  }
0x6: {  	s22 =	simm.s32 $0x4F80;
	s5 =	sand.u32 $0x1, s0;
	s0 =	stileid.u32  }
0x7: {  	s23 =	simm.s32 $0x0;
	[smem:$0x7FF] =	sst s3;
	s8 =	smul.u32 $0xA000, s0  }
0x8: {  	s4 =	sadd.s32 $0x15A00, s6;
	s1 =	sshll.u32 s5, $0x4;
	s9 =	smul.u32 $0xA0000, s5  }
0x9: {  	s5 =	ssub.s32 $0x2, s5;
	s12 =	sshll.u32 s0, $0x6;
	s1 =	sor.u32 s0, s1  }
0xa: {  	s11 =	sshrl.u32 s5, $0x1;
	s12 =	sor.u32 $0x1C04, s12;
	s7 =	smul.u32 $0x500, s1  }
0xb: {  	s1 =	rddreg [dreg:$0x2];
	_ =	strace $0x8000004A;
	s9 =	sadd.s32 s8, s9  }
0xc: {  	s10 =	sshrl.u32 s8, $0x3;
	s11 =	ssub.s32 s5, s11;
	s13 =	sadd.s32 s8, s2  }
0xd: {  	s9 =	sshrl.u32 s9, $0x3;
	s10 =	sadd.s32 s10, s6;
	s7 =	sadd.s32 s7, s6  }
0xe: {  	s13 =	sshrl.u32 s13, $0x3;
	s9 =	sadd.s32 s9, s6;
	s5 =	sadd.s32 $0xBA00, s7  }
0xf: {  	s6 =	sadd.s32 $0x1A00, s7;
	s7 =	sadd.s32 $0x29400, s10;
	s8 =	sadd.s32 $0x3D400, s9  }
0x10: {  	s9 =	smax.u32 s11, $0x1;
	s10 =	simm.s32 $0x4;
	s11 =	simm.s32 $0x2800  }
.LBB2_1:
0x11: {  	[tilespmem:s3], [sflag:$0x4] =	stream.linear.gather [hbm4b:s5+s3], $0x2800, $0x38;
	[tilespmem:$0x15000] =	vst v63  }
0x12: {  	_ =	swait.ge [sflag:s10], $0x2800  }
0x13: {  	[sflag:s10] =	ssyncset.done $0x0  }
0x14: {  	[sflag:s10] =	ssyncadd.s32 $0xFFFFD800  }
0x15: {  	[tilespmem:s11], [sflag:$0x4] =	stream.linear.gather [hbm4b:s6+s3], $0x2800, $0x38;
	[tilespmem:$0x15000] =	vst v63  }
0x16: {  	_ =	swait.ge [sflag:s10], $0x2800  }
0x17: {  	[sflag:s10] =	ssyncset.done $0x0  }
0x18: {  	[sflag:s10] =	ssyncadd.s32 $0xFFFFD800  }
0x19: {  	[spmem:s13], [sflag:s12] =	dma.local [hbm:s7], $0x1400  }
0x1a: {  	_ =	swait.ge [sflag:s10], $0x1400  }
0x1b: {  	[sflag:s10] =	ssyncset.done $0x0  }
0x1c: {  	[sflag:s10] =	ssyncadd.s32 $0xFFFFEC00  }
0x1d: {  	[bflag:$0x0] =	sbarrier.arrive $0xFFFF  }
0x1e: {  	[tilespmem:s15], [sflag:$0x1] =	stream.indirect.gather [hbm4b:s4+s14], $0x40, s3, s14, $0xb8;
	[tilespmem:$0x15000] =	vst v63  }
0x1f: {  	_ = 	snop  }
0x20: {  	[tilespmem:s16], [sflag:$0x2] =	stream.indirect.gather [hbm4b:s4+s14], $0x40, s14, s14, $0xb8;
	[tilespmem:$0x15000] =	vst v63  }
0x21: {  	s24 =	simm.s32 $0x100  }
0x22: {  	[tilespmem:s17], [sflag:$0x3] =	stream.indirect.gather [hbm4b:s4+s14], $0x40, s24, s14, $0xb8;
	[tilespmem:$0x15000] =	vst v63  }
0x23: {  	_ =	swait.ge [sflag:s18], $0x2000  }
0x24: {  	[sflag:s18] =	ssyncset.done $0x0  }
0x25: {  	s26 =	simm.s32 $0x2800;
	[sflag:s18] =	ssyncadd.s32 $0xFFFFE000  }
0x26: {  	[spmem:s2] =	stream.indirect.scatter.add.f32 [tilespmem:s15], [sflag:$0x4], $0x40, s26, s14, $0xb8;
	[tilespmem:$0x15000] =	vst v63  }
0x27: {  	_ =	swait.ge [sflag:s10], $0x2000  }
0x28: {  	[sflag:s10] =	ssyncset.done $0x0  }
0x29: {  	s28 =	simm.s32 $0x180;
	[sflag:s10] =	ssyncadd.s32 $0xFFFFE000  }
0x2a: {  	[tilespmem:s15], [sflag:$0x1] =	stream.indirect.gather [hbm4b:s4+s14], $0x40, s28, s14, $0xb8;
	[tilespmem:$0x15000] =	vst v63  }
0x2b: {  	_ =	swait.ge [sflag:s19], $0x2000  }
0x2c: {  	[sflag:s19] =	ssyncset.done $0x0  }
0x2d: {  	s29 =	simm.s32 $0x2880;
	[sflag:s19] =	ssyncadd.s32 $0xFFFFE000  }
0x2e: {  	[spmem:s2] =	stream.indirect.scatter.add.f32 [tilespmem:s16], [sflag:$0x4], $0x40, s29, s14, $0xb8;
	[tilespmem:$0x15000] =	vst v63  }
0x2f: {  	_ =	swait.ge [sflag:s10], $0x2000  }
0x30: {  	[sflag:s10] =	ssyncset.done $0x0  }
0x31: {  	s30 =	simm.s32 $0x200;
	[sflag:s10] =	ssyncadd.s32 $0xFFFFE000  }
0x32: {  	[tilespmem:s16], [sflag:$0x2] =	stream.indirect.gather [hbm4b:s4+s14], $0x40, s30, s14, $0xb8;
	[tilespmem:$0x15000] =	vst v63  }
0x33: {  	_ =	swait.ge [sflag:s20], $0x2000  }
0x34: {  	[sflag:s20] =	ssyncset.done $0x0  }
0x35: {  	s31 =	simm.s32 $0x2900;
	[sflag:s20] =	ssyncadd.s32 $0xFFFFE000  }
0x36: {  	[spmem:s2] =	stream.indirect.scatter.add.f32 [tilespmem:s17], [sflag:$0x4], $0x40, s31, s14, $0xb8;
	[tilespmem:$0x15000] =	vst v63  }
0x37: {  	_ =	swait.ge [sflag:s10], $0x2000  }
0x38: {  	s25 =	simm.s32 $0xC00;
	s24 =	simm.s32 $0x180;
	[sflag:s10] =	ssyncset.done $0x0  }
.LBB2_2:
0x39: {  	s26 =	sadd.s32 $0x100, s24  }
0x3a: {  	[sflag:s10] =	ssyncadd.s32 $0xFFFFE000;
	s28 =	smov.u32 s25;
	s29 =	sadd.s32 $0x600, s25  }
0x3b: {  	[tilespmem:s17], [sflag:$0x3] =	stream.indirect.gather [hbm4b:s4+s14], $0x40, s26, s14, $0xb8;
	[tilespmem:$0x15000] =	vst v63  }
0x3c: {  	p0 =	sne.s32 s25, $0x9600;
	_ =	swait.ge [sflag:s18], $0x2000  }
0x3d: {  	[sflag:s18] =	ssyncset.done $0x0  }
0x3e: {  	s25 =	sadd.s32 $0x2800, s24;
	[sflag:s18] =	ssyncadd.s32 $0xFFFFE000  }
0x3f: {  	[spmem:s2] =	stream.indirect.scatter.add.f32 [tilespmem:s15], [sflag:$0x4], $0x40, s25, s14, $0xb8;
	[tilespmem:$0x15000] =	vst v63  }
0x40: {  	_ =	swait.ge [sflag:s10], $0x2000  }
0x41: {  	[sflag:s10] =	ssyncset.done $0x0  }
0x42: {  	s25 =	sadd.s32 $0x180, s24;
	[sflag:s10] =	ssyncadd.s32 $0xFFFFE000  }
0x43: {  	[tilespmem:s15], [sflag:$0x1] =	stream.indirect.gather [hbm4b:s4+s14], $0x40, s25, s14, $0xb8;
	[tilespmem:$0x15000] =	vst v63  }
0x44: {  	_ =	swait.ge [sflag:s19], $0x2000  }
0x45: {  	[sflag:s19] =	ssyncset.done $0x0  }
0x46: {  	s25 =	sadd.s32 $0x2880, s24;
	[sflag:s19] =	ssyncadd.s32 $0xFFFFE000  }
0x47: {  	[spmem:s2] =	stream.indirect.scatter.add.f32 [tilespmem:s16], [sflag:$0x4], $0x40, s25, s14, $0xb8;
	[tilespmem:$0x15000] =	vst v63  }
0x48: {  	_ =	swait.ge [sflag:s10], $0x2000  }
0x49: {  	[sflag:s10] =	ssyncset.done $0x0  }
0x4a: {  	s25 =	sadd.s32 $0x200, s24;
	[sflag:s10] =	ssyncadd.s32 $0xFFFFE000  }
0x4b: {  	[tilespmem:s16], [sflag:$0x2] =	stream.indirect.gather [hbm4b:s4+s14], $0x40, s25, s14, $0xb8;
	[tilespmem:$0x15000] =	vst v63  }
0x4c: {  	_ =	swait.ge [sflag:s20], $0x2000  }
.Ltmp0:
0x4d: {  	[sflag:s20] =	ssyncset.done $0x0;
	(pc) =	sbr.rel @p0 .LBB2_2-.Ltmp0, $4  }
0x4e: {  	s24 =	sadd.s32 $0x2900, s24;
	[sflag:s20] =	ssyncadd.s32 $0xFFFFE000  }
0x4f: {  	[spmem:s2] =	stream.indirect.scatter.add.f32 [tilespmem:s17], [sflag:$0x4], $0x40, s24, s14, $0xb8;
	[tilespmem:$0x15000] =	vst v63  }
0x50: {  	_ =	swait.ge [sflag:s10], $0x2000  }
0x51: {  	s25 =	smov.u32 s29;
	s24 =	sshra.s32 s28, $0x2;
	[sflag:s10] =	ssyncset.done $0x0  }
0x52: {  	s25 =	sadd.s32 $0x100, s24;
	[sflag:s10] =	ssyncadd.s32 $0xFFFFE000  }
0x53: {  	[tilespmem:s17], [sflag:$0x3] =	stream.indirect.gather [hbm4b:s4+s14], $0x40, s25, s14, $0xb8;
	[tilespmem:$0x15000] =	vst v63  }
0x54: {  	_ =	swait.ge [sflag:s18], $0x2000  }
0x55: {  	[sflag:s18] =	ssyncset.done $0x0  }
0x56: {  	s26 =	sadd.s32 $0x2800, s24;
	[sflag:s18] =	ssyncadd.s32 $0xFFFFE000  }
0x57: {  	[spmem:s2] =	stream.indirect.scatter.add.f32 [tilespmem:s15], [sflag:$0x4], $0x40, s26, s14, $0xb8;
	[tilespmem:$0x15000] =	vst v63  }
0x58: {  	_ =	swait.ge [sflag:s10], $0x2000  }
0x59: {  	[sflag:s10] =	ssyncset.done $0x0  }
0x5a: {  	s28 =	sadd.s32 $0x180, s24;
	[sflag:s10] =	ssyncadd.s32 $0xFFFFE000  }
0x5b: {  	[tilespmem:s15], [sflag:$0x1] =	stream.indirect.gather [hbm4b:s4+s14], $0x40, s28, s14, $0xb8;
	[tilespmem:$0x15000] =	vst v63  }
0x5c: {  	_ =	swait.ge [sflag:s19], $0x2000  }
0x5d: {  	[sflag:s19] =	ssyncset.done $0x0  }
0x5e: {  	s29 =	sadd.s32 $0x2880, s24;
	[sflag:s19] =	ssyncadd.s32 $0xFFFFE000  }
0x5f: {  	[spmem:s2] =	stream.indirect.scatter.add.f32 [tilespmem:s16], [sflag:$0x4], $0x40, s29, s14, $0xb8;
	[tilespmem:$0x15000] =	vst v63  }
0x60: {  	_ =	swait.ge [sflag:s10], $0x2000  }
0x61: {  	[sflag:s10] =	ssyncset.done $0x0  }
0x62: {  	s30 =	sadd.s32 $0x200, s24;
	[sflag:s10] =	ssyncadd.s32 $0xFFFFE000  }
0x63: {  	[tilespmem:s16], [sflag:$0x2] =	stream.indirect.gather [hbm4b:s4+s14], $0x40, s30, s14, $0xb8;
	[tilespmem:$0x15000] =	vst v63  }
0x64: {  	_ =	swait.ge [sflag:s20], $0x2000  }
0x65: {  	[sflag:s20] =	ssyncset.done $0x0  }
0x66: {  	s31 =	sadd.s32 $0x2900, s24;
	[sflag:s20] =	ssyncadd.s32 $0xFFFFE000  }
0x67: {  	[spmem:s2] =	stream.indirect.scatter.add.f32 [tilespmem:s17], [sflag:$0x4], $0x40, s31, s14, $0xb8;
	[tilespmem:$0x15000] =	vst v63  }
0x68: {  	_ =	swait.ge [sflag:s10], $0x2000  }
0x69: {  	[sflag:s10] =	ssyncset.done $0x0  }
0x6a: {  	[sflag:s10] =	ssyncadd.s32 $0xFFFFE000  }
0x6b: {  	_ =	swait.ge [sflag:s18], $0x2000  }
0x6c: {  	[sflag:s18] =	ssyncset.done $0x0  }
0x6d: {  	[sflag:s18] =	ssyncadd.s32 $0xFFFFE000  }
0x6e: {  	[spmem:s2] =	stream.indirect.scatter.add.f32 [tilespmem:s15], [sflag:$0x4], $0x40, s21, s14, $0xb8;
	[tilespmem:$0x15000] =	vst v63  }
0x6f: {  	_ =	swait.ge [sflag:s10], $0x2000  }
0x70: {  	[sflag:s10] =	ssyncset.done $0x0  }
0x71: {  	[sflag:s10] =	ssyncadd.s32 $0xFFFFE000  }
0x72: {  	_ =	swait.ge [sflag:s19], $0x2000  }
0x73: {  	[sflag:s19] =	ssyncset.done $0x0  }
0x74: {  	[sflag:s19] =	ssyncadd.s32 $0xFFFFE000  }
0x75: {  	[spmem:s2] =	stream.indirect.scatter.add.f32 [tilespmem:s16], [sflag:$0x4], $0x40, s22, s14, $0xb8;
	[tilespmem:$0x15000] =	vst v63  }
0x76: {  	_ =	swait.ge [sflag:s10], $0x2000  }
0x77: {  	s23 =	sadd.s32 $0x1, s23;
	[sflag:s10] =	ssyncset.done $0x0  }
0x78: {  	p0 =	sne.s32 s23, s9;
	[sflag:s10] =	ssyncadd.s32 $0xFFFFE000  }
.Ltmp1:
0x79: {  	[bflag:$0x0] =	sbarrier.arrive $0xFFFF;
	(pc) =	sbr.rel @p0 .LBB2_1-.Ltmp1, $4  }
0x7a: {  	[hbm:s8], [sflag:s12] =	dma.local [spmem:s13], $0x1400  }
0x7b: {  	_ =	swait.ge [sflag:s10], $0x1400  }
0x7c: {  	[sflag:s10] =	ssyncset.done $0x0  }
0x7d: {  	[sflag:s10] =	ssyncadd.s32 $0xFFFFEC00  }
0x7e: {  	_ =	sfence.sel $0x180000  }
0x7f: {  	[bflag:$0x0] =	sbarrier.arrive $0xFFFF  }
0x80: {  	p0 =	sne.s32 s0, $0x0;
	_ =	strace $0x9000004A  }
0x81: {  	s0 =	sadd.s32 @!p0 $0x100000, s1;
	[bflag:$0x2] =	sbarrier.arrive $0xFFFF  }
0x82: {  	[sflag:s0] =	ssyncadd.tile.s32 @!p0 $0x1;
	_ =	shalt  }
.Lfunc_end2:
_tile_overlayer_lowered:
.L_overlay_start_2:
0x83: {  	(tag) =	ssettag $0x2  }
0x84: {  	s0 =	rddreg [dreg:$0x0];
	s2 =	stileid.u32  }
0x85: {  	s1 =	rddreg [dreg:$0x1];
	p0 =	sne.s32 s2, $0x0  }
0x86: {  	s3 =	rddreg [dreg:$0x2];
	[bflag:$0x3] =	sbarrier.arrive $0xFFFF;
	s2 =	simm.s32 @!p0 $0x1C04  }
0x87: {  	[timem:s3], [sflag:s2] =	dma.local @!p0 [hbm:s0], s1  }
0x88: {  	s0 =	simm.s32 @!p0 $0x4  }
0x89: {  	_ =	swait.ge @!p0 [sflag:s0], s1  }
0x8a: {  	s1 =	ssub.s32 @!p0 $0x0, s1;
	[sflag:s0] =	ssyncset.done @!p0 $0x0  }
0x8b: {  	[sflag:s0] =	ssyncadd.s32 @!p0 s1  }
0x8c: {  	[bflag:$0x3] =	sbarrier.arrive $0xFFFF  }
0x8d: {  	_ =	shalt  }

// kernel: kernel.15.cloned.1.call-start
scs
__scs_entry_jumppad:
0x0: {  	(pc) =	sbr.rel $0x88, $3  }
0x1: {  	(tag) =	ssettag $0x0;
	lr =	simm.s32 $0x1  }
0x2: {  	[smem:$0x3F99] =	sst lr;
	_ =	strace $0xD0000000  }
0x3: {  	_ = 	snop  }
0x4: {  	_ = 	snop  }
0x5: {  	_ = 	snop  }
0x6: {  	_ = 	snop  }
0x7: {  	_ = 	snop  }
__scs_overlays_trampoline_lowered:
0x8: {  	[smem:$0x3FA8] =	sst s0  }
0x9: {  	[smem:$0x3FA9] =	sst s1  }
0xa: {  	[smem:$0x3FAA] =	sst s2  }
0xb: {  	[smem:$0x3FAB] =	sst s3  }
0xc: {  	[smem:$0x3FAC] =	sst s4  }
0xd: {  	[smem:$0x3FAD] =	sst s5  }
0xe: {  	[smem:$0x3FAE] =	sst s6  }
0xf: {  	[smem:$0x3FAF] =	sst s7  }
0x10: {  	[smem:$0x3FB0] =	sst s8  }
0x11: {  	[smem:$0x3FB1] =	sst s9;
	s0 =	simm.s32 @!p0 $0x0  }
0x12: {  	s1 =	sld [smem:$0x3F97];
	s0 =	simm.s32 @p0 $0x1  }
0x13: {  	[smem:$0x3FB2] =	sst s0;
	s0 =	simm.s32 @!p1 $0x0  }
0x14: {  	s2 =	sld [smem:$0x3F96];
	s0 =	simm.s32 @p1 $0x1  }
0x15: {  	[smem:$0x3FB3] =	sst s0;
	s0 =	simm.s32 @!p2 $0x0  }
0x16: {  	s3 =	sld [smem:$0x3FDB];
	s0 =	simm.s32 @p2 $0x1  }
0x17: {  	s4 =	simm.s32 $0x1BF5;
	[smem:$0x3FB5] =	sst s0  }
0x18: {  	s0 =	sld [smem:$0x3F98];
	_ =	swait.ge [sflag:s4], $0x0  }
0x19: {  	s7 =	sld [smem:$0x3F99]  }
0x1a: {  	s8 =	sadd.s32 $0xFFFFE003, lr  }
0x1b: {  	s9 =	sadd.s32 $0xFFFFFEF7, lr;
	s5 =	simm.s32 $0xFFFFFFFF;
	p2 =	slt.u32 s8, $0xFFFFF086  }
0x1c: {  	p1 =	slt.u32 s9, $0xF7A;
	s5 =	simm.s32 @!p2 $0x0  }
0x1d: {  	s5 =	simm.s32 @p1 $0x1;
	p0 =	seq.s32 s7, s2  }
0x1e: {  	s7 =	smul.u32 @!p0 $0xF7A, s2;
	p2 =	seq.s32 @!p0 s5, $0x0  }
0x1f: {  	s9 =	smul.u32 $0xF7A, s1;
	s8 =	simm.s32 @!p0 $0x1BF5;
	p2 =	por !p2, p0  }
0x20: {  	[sflag:s8] =	ssyncset.s32 @!p0 $0xFFFFF086;
	s6 =	sadd.s32 @!p0 s3, s7;
	s7 =	simm.s32 @!p0 $0x108  }
0x21: {  	s3 =	sadd.s32 s3, s9;
	s6 =	sadd.s32 @!p0 $0x88, s6;
	s7 =	simm.s32 @p2 $0x1082  }
0x22: {  	[simem:s7], [sflag:s8] =	dma.local @!p0 [hbm:s6], $0xF7A  }
0x23: {  	s9 =	sor.u32 $0xD0000000, s2;
	s6 =	simm.s32 $0x108;
	_ =	swait.ge @!p0 [sflag:s8], $0x0  }
0x24: {  	s3 =	sadd.s32 $0x88, s3;
	s6 =	simm.s32 @!p1 $0x1082;
	[sflag:s4] =	ssyncset.s32 $0xFFFFF086  }
0x25: {  	[simem:s6], [sflag:s4] =	dma.local [hbm:s3], $0xF7A  }
0x26: {  	[smem:$0x3F99] =	sst s1;
	(tag) =	ssettag s2;
	_ =	strace s9  }
0x27: {  	s1 =	sld [smem:$0x3FA9]  }
0x28: {  	s2 =	sld [smem:$0x3FAA]  }
0x29: {  	s4 =	sld [smem:$0x3FAC]  }
0x2a: {  	p0 =	seq.s32 s5, $0x0;
	s5 =	sld [smem:$0x3FAD]  }
0x2b: {  	s6 =	sld [smem:$0x3FAE]  }
0x2c: {  	s7 =	sld [smem:$0x3FAF]  }
0x2d: {  	s3 =	simm.s32 $0x108;
	s8 =	sld [smem:$0x3FB0]  }
0x2e: {  	s3 =	simm.s32 @!p0 $0x1082;
	s9 =	sld [smem:$0x3FB1]  }
0x2f: {  	lr =	sadd.s32 s0, s3;
	s0 =	sld [smem:$0x3FA8]  }
0x30: {  	s3 =	sld [smem:$0x3FAB]  }
0x31: {  	[smem:$0x3FB4] =	sst s10  }
0x32: {  	s10 =	sld [smem:$0x3FB2];
	_ =	sdelay $0x3  }
0x33: {  	p0 =	seq.s32 s10, $0x1;
	s10 =	sld [smem:$0x3FB4];
	_ =	sdelay $0x3  }
0x34: {  	[smem:$0x3FB4] =	sst s10  }
0x35: {  	s10 =	sld [smem:$0x3FB3];
	_ =	sdelay $0x3  }
0x36: {  	p1 =	seq.s32 s10, $0x1;
	s10 =	sld [smem:$0x3FB4];
	_ =	sdelay $0x3  }
0x37: {  	[smem:$0x3FB4] =	sst s10  }
0x38: {  	s10 =	sld [smem:$0x3FB5]  }
0x39: {  	_ = 	snop;
	(pc) =	sbr.ind lr, $3  }
0x3a: {  	_ = 	snop  }
0x3b: {  	_ = 	snop  }
0x3c: {  	p2 =	seq.s32 s10, $0x1;
	s10 =	sld [smem:$0x3FB4]  }
0x3d: {  	_ =	shalt  }
0x3e: {  	_ =	shalt  }
0x3f: {  	_ =	shalt  }
0x40: {  	_ =	shalt  }
0x41: {  	_ =	shalt  }
0x42: {  	_ =	shalt  }
0x43: {  	_ =	shalt  }
0x44: {  	_ =	shalt  }
0x45: {  	_ =	shalt  }
0x46: {  	_ =	shalt  }
0x47: {  	_ =	shalt  }
0x48: {  	_ =	shalt  }
0x49: {  	_ =	shalt  }
0x4a: {  	_ =	shalt  }
0x4b: {  	_ =	shalt  }
0x4c: {  	_ =	shalt  }
0x4d: {  	_ =	shalt  }
0x4e: {  	_ =	shalt  }
0x4f: {  	_ =	shalt  }
0x50: {  	_ =	shalt  }
0x51: {  	_ =	shalt  }
0x52: {  	_ =	shalt  }
0x53: {  	_ =	shalt  }
0x54: {  	_ =	shalt  }
0x55: {  	_ =	shalt  }
0x56: {  	_ =	shalt  }
0x57: {  	_ =	shalt  }
0x58: {  	_ =	shalt  }
0x59: {  	_ =	shalt  }
0x5a: {  	_ =	shalt  }
0x5b: {  	_ =	shalt  }
0x5c: {  	_ =	shalt  }
0x5d: {  	_ =	shalt  }
0x5e: {  	_ =	shalt  }
0x5f: {  	_ =	shalt  }
0x60: {  	_ =	shalt  }
0x61: {  	_ =	shalt  }
0x62: {  	_ =	shalt  }
0x63: {  	_ =	shalt  }
0x64: {  	_ =	shalt  }
0x65: {  	_ =	shalt  }
0x66: {  	_ =	shalt  }
0x67: {  	_ =	shalt  }
0x68: {  	_ =	shalt  }
0x69: {  	_ =	shalt  }
0x6a: {  	_ =	shalt  }
0x6b: {  	_ =	shalt  }
0x6c: {  	_ =	shalt  }
0x6d: {  	_ =	shalt  }
0x6e: {  	_ =	shalt  }
0x6f: {  	_ =	shalt  }
0x70: {  	_ =	shalt  }
0x71: {  	_ =	shalt  }
0x72: {  	_ =	shalt  }
0x73: {  	_ =	shalt  }
0x74: {  	_ =	shalt  }
0x75: {  	_ =	shalt  }
0x76: {  	_ =	shalt  }
0x77: {  	_ =	shalt  }
0x78: {  	_ =	shalt  }
0x79: {  	_ =	shalt  }
0x7a: {  	_ =	shalt  }
0x7b: {  	_ =	shalt  }
0x7c: {  	_ =	shalt  }
0x7d: {  	_ =	shalt  }
0x7e: {  	_ =	shalt  }
0x7f: {  	_ =	shalt  }
0x80: {  	_ =	shalt  }
0x81: {  	_ =	shalt  }
0x82: {  	_ =	shalt  }
0x83: {  	_ =	shalt  }
0x84: {  	_ =	shalt  }
0x85: {  	_ =	shalt  }
0x86: {  	_ =	shalt  }
0x87: {  	_ =	shalt  }
.Lfunc_end0:
.L_simem_size_0:
called_computation.2_lowered:
.L_overlay_start_0:
0x88: {  	s2 =	sld [smem:$0x3FD9]  }
0x89: {  	s3 =	sld [smem:$0x3FFE];
	_ =	sdelay $0x1  }
0x8a: {  	s1 =	srdreg.scid  }
0x8b: {  	s0 =	sand.u32 $0x1, s1  }
0x8c: {  	s16 =	sshll.u32 s0, $0xA;
	s2 =	sadd.s32 s3, s2  }
0x8d: {  	s2 =	sadd.s32 s2, s16  }
0x8e: {  	[smem:$0x3FC0] =	sst s2  }
0x8f: {  	_ = 	snop  }
0x90: {  	(tm) =	ssettm $0x1  }
0x91: {  	s17 =	sld [smem:$0x3FFB];
	_ =	sdelay $0x3  }
0x92: {  	_ =	strace s17  }
0x93: {  	s2 =	sld [smem:$0x3FFC];
	_ =	sdelay $0x3  }
0x94: {  	_ =	strace s2  }
0x95: {  	s2 =	sld [smem:$0x3FFD];
	_ =	sdelay $0x3  }
0x96: {  	_ =	strace s2  }
0x97: {  	_ =	strace $0x8FFFFFFF  }
0x98: {  	s18 =	sld [smem:$0x3FDB];
	_ =	sdelay $0x1  }
0x99: {  	s19 =	simm.s32 $_scs_section_size  }
0x9a: {  	s4 =	simm.s32 $_size__tile_overlayer_lowered;
	s5 =	simm.s32 $_tile_overlayer_lowered  }
0x9b: {  	s22 =	simm.s32 $0x1BFF;
	s21 =	sshll.u32 s5, $0x1;
	s2 =	sadd.s32 s19, s18  }
0x9c: {  	s6 =	simm.s32 $0x0;
	s20 =	sshll.u32 s4, $0x1;
	s4 =	sadd.s32 s21, s2  }
0x9d: {  	[timem:s6], [sflag:s22] =	dma.local [hbm:s4], s20  }
0x9e: {  	_ =	swait.ge [sflag:s22], s20  }
0x9f: {  	s3 =	ssub.s32 $0x0, s20;
	[sflag:s22] =	ssyncset.done $0x0  }
0xa0: {  	[sflag:s22] =	ssyncadd.s32 s3;
	_ =	sdelay $0x1  }
0xa1: {  	s23 =	simm.s32 $0x1B8B  }
0xa2: {  	_ =	swait.ge [sflag:s23], $0x1  }
0xa3: {  	[sflag:s23] =	ssyncset.done $0x0  }
0xa4: {  	s25 =	simm.s32 $0x1B8E;
	s24 =	sld [smem:$0x3FFE];
	[sflag:s23] =	ssyncadd.s32 $0xFFFFFFFF  }
0xa5: {  	s26 =	simm.s32 $execute0_lowered;
	[smem:$0x3FD2] =	sst s25  }
0xa6: {  	s4 =	sshll.u32 s26, $0x1;
	_ =	strace $0x8000004C;
	[dreg:$0x1] =	wrdreg $0xFFFFFFFF  }
0xa7: {  	s28 =	simm.s32 $_size_execute0_lowered;
	s2 =	sadd.s32 s2, s4;
	[dreg:$0x0] =	wrdreg $0x0  }
0xa8: {  	s4 =	sshll.u32 s28, $0x1;
	[dreg:$0x2] =	wrdreg s2  }
0xa9: {  	[dreg:$0x3] =	wrdreg s4  }
0xaa: {  	[dreg:$0x4] =	wrdreg $0xC0  }
0xab: {  	_ =	task [dreg:s6], $0x5FFFF  }
0xac: {  	[dreg:$0x1] =	wrdreg $0xFFFFFFFF  }
0xad: {  	[dreg:$0x0] =	wrdreg $0x60  }
0xae: {  	[dreg:$0x2] =	wrdreg s24  }
0xaf: {  	[dreg:$0x3] =	wrdreg $0xB0000  }
0xb0: {  	[dreg:$0x4] =	wrdreg $0x9  }
0xb1: {  	_ =	task.clear_ibuf [dreg:s6], $0x5FFFF;
	_ =	strace $0x9000004C  }
0xb2: {  	s29 =	simm.s32 $0x9;
	_ =	strace $0x8000004E  }
0xb3: {  	_ =	swait.ge [sflag:s29], $0x1  }
0xb4: {  	[sflag:s29] =	ssyncadd.s32 $0xFFFFFFFF  }
0xb5: {  	_ =	strace $0x9000004E  }
0xb6: {  	_ =	sfence  }
0xb7: {  	s30 =	sld [smem:$0x0];
	_ =	sdelay $0x2  }
0xb8: {  	s31 =	sshll.u32 s1, $0xD;
	s1 =	sshrl.u32 s1, $0x2  }
0xb9: {  	s3 =	sand.u32 $0x4000, s31;
	s1 =	sadd.s32 s1, s30  }
0xba: {  	s0 =	sor.u32 s3, s0;
	s1 =	sshll.u32 s1, $0x11  }
0xbb: {  	s0 =	sor.u32 s1, s0  }
0xbc: {  	s0 =	sadd.s32 $0x8F2B, s0  }
0xbd: {  	[sflag:s0] =	ssyncadd.remote.s32 $0x1  }
0xbe: {  	_ =	sfence.sel $0xFFFF  }
0xbf: {  	[dreg:$0x0] =	wrdreg $0xFFFFFFFF;
	(pc) =	sbr.abs _section_cstart, $3  }
0xc0: {  	[dreg:$0x1] =	wrdreg $0xFFFFFFFF  }
0xc1: {  	_ =	task.clear_ibuf [dreg:s6], $0x2FFFF;
	_ =	strace $0x9FFFFFFF  }
0xc2: {  	(tm) =	ssettm $0x7FFFFFFF  }
0xc3: {  	_ =	shalt  }
tec
execute0_lowered:
.L_overlay_start_1:
0x0: {  	(tag) =	ssettag $0x1  }
0x1: {  	s6 =	rddreg [dreg:$0x0]  }
0x2: {  	s0 =	srdreg.scid;
	s2 =	rddreg [dreg:$0x1]  }
0x3: {  	s3 =	simm.s32 $0x0;
	s14 =	simm.s32 $0x80;
	s15 =	simm.s32 $0x5000  }
0x4: {  	s16 =	simm.s32 $0x7000;
	s17 =	simm.s32 $0x9000;
	s18 =	simm.s32 $0x1  }
0x5: {  	s19 =	simm.s32 $0x2;
	s20 =	simm.s32 $0x3;
	s21 =	simm.s32 $0x4F00  }
0x6: {  	s22 =	simm.s32 $0x4F80;
	s5 =	sand.u32 $0x1, s0;
	s0 =	stileid.u32  }
0x7: {  	s23 =	simm.s32 $0x0;
	[smem:$0x7FF] =	sst s3;
	s8 =	smul.u32 $0xA000, s0  }
0x8: {  	s4 =	sadd.s32 $0x15A00, s6;
	s1 =	sshll.u32 s5, $0x4;
	s9 =	smul.u32 $0xA0000, s5  }
0x9: {  	s5 =	ssub.s32 $0x2, s5;
	s12 =	sshll.u32 s0, $0x6;
	s1 =	sor.u32 s0, s1  }
0xa: {  	s11 =	sshrl.u32 s5, $0x1;
	s12 =	sor.u32 $0x1C04, s12;
	s7 =	smul.u32 $0x500, s1  }
0xb: {  	s1 =	rddreg [dreg:$0x2];
	_ =	strace $0x8000004D;
	s9 =	sadd.s32 s8, s9  }
0xc: {  	s10 =	sshrl.u32 s8, $0x3;
	s11 =	ssub.s32 s5, s11;
	s13 =	sadd.s32 s8, s2  }
0xd: {  	s9 =	sshrl.u32 s9, $0x3;
	s10 =	sadd.s32 s10, s6;
	s7 =	sadd.s32 s7, s6  }
0xe: {  	s13 =	sshrl.u32 s13, $0x3;
	s9 =	sadd.s32 s9, s6;
	s5 =	sadd.s32 $0xBA00, s7  }
0xf: {  	s6 =	sadd.s32 $0x1A00, s7;
	s7 =	sadd.s32 $0x29400, s10;
	s8 =	sadd.s32 $0x3D400, s9  }
0x10: {  	s9 =	smax.u32 s11, $0x1;
	s10 =	simm.s32 $0x4;
	s11 =	simm.s32 $0x2800  }
.LBB2_1:
0x11: {  	[tilespmem:s3], [sflag:$0x4] =	stream.linear.gather [hbm4b:s5+s3], $0x2800, $0x38;
	[tilespmem:$0x15000] =	vst v63  }
0x12: {  	_ =	swait.ge [sflag:s10], $0x2800  }
0x13: {  	[sflag:s10] =	ssyncset.done $0x0  }
0x14: {  	[sflag:s10] =	ssyncadd.s32 $0xFFFFD800  }
0x15: {  	[tilespmem:s11], [sflag:$0x4] =	stream.linear.gather [hbm4b:s6+s3], $0x2800, $0x38;
	[tilespmem:$0x15000] =	vst v63  }
0x16: {  	_ =	swait.ge [sflag:s10], $0x2800  }
0x17: {  	[sflag:s10] =	ssyncset.done $0x0  }
0x18: {  	[sflag:s10] =	ssyncadd.s32 $0xFFFFD800  }
0x19: {  	[spmem:s13], [sflag:s12] =	dma.local [hbm:s7], $0x1400  }
0x1a: {  	_ =	swait.ge [sflag:s10], $0x1400  }
0x1b: {  	[sflag:s10] =	ssyncset.done $0x0  }
0x1c: {  	[sflag:s10] =	ssyncadd.s32 $0xFFFFEC00  }
0x1d: {  	[bflag:$0x0] =	sbarrier.arrive $0xFFFF  }
0x1e: {  	[tilespmem:s15], [sflag:$0x1] =	stream.indirect.gather [hbm4b:s4+s14], $0x40, s3, s14, $0xb8;
	[tilespmem:$0x15000] =	vst v63  }
0x1f: {  	_ = 	snop  }
0x20: {  	[tilespmem:s16], [sflag:$0x2] =	stream.indirect.gather [hbm4b:s4+s14], $0x40, s14, s14, $0xb8;
	[tilespmem:$0x15000] =	vst v63  }
0x21: {  	s24 =	simm.s32 $0x100  }
0x22: {  	[tilespmem:s17], [sflag:$0x3] =	stream.indirect.gather [hbm4b:s4+s14], $0x40, s24, s14, $0xb8;
	[tilespmem:$0x15000] =	vst v63  }
0x23: {  	_ =	swait.ge [sflag:s18], $0x2000  }
0x24: {  	[sflag:s18] =	ssyncset.done $0x0  }
0x25: {  	s26 =	simm.s32 $0x2800;
	[sflag:s18] =	ssyncadd.s32 $0xFFFFE000  }
0x26: {  	[spmem:s2] =	stream.indirect.scatter.add.f32 [tilespmem:s15], [sflag:$0x4], $0x40, s26, s14, $0xb8;
	[tilespmem:$0x15000] =	vst v63  }
0x27: {  	_ =	swait.ge [sflag:s10], $0x2000  }
0x28: {  	[sflag:s10] =	ssyncset.done $0x0  }
0x29: {  	s28 =	simm.s32 $0x180;
	[sflag:s10] =	ssyncadd.s32 $0xFFFFE000  }
0x2a: {  	[tilespmem:s15], [sflag:$0x1] =	stream.indirect.gather [hbm4b:s4+s14], $0x40, s28, s14, $0xb8;
	[tilespmem:$0x15000] =	vst v63  }
0x2b: {  	_ =	swait.ge [sflag:s19], $0x2000  }
0x2c: {  	[sflag:s19] =	ssyncset.done $0x0  }
0x2d: {  	s29 =	simm.s32 $0x2880;
	[sflag:s19] =	ssyncadd.s32 $0xFFFFE000  }
0x2e: {  	[spmem:s2] =	stream.indirect.scatter.add.f32 [tilespmem:s16], [sflag:$0x4], $0x40, s29, s14, $0xb8;
	[tilespmem:$0x15000] =	vst v63  }
0x2f: {  	_ =	swait.ge [sflag:s10], $0x2000  }
0x30: {  	[sflag:s10] =	ssyncset.done $0x0  }
0x31: {  	s30 =	simm.s32 $0x200;
	[sflag:s10] =	ssyncadd.s32 $0xFFFFE000  }
0x32: {  	[tilespmem:s16], [sflag:$0x2] =	stream.indirect.gather [hbm4b:s4+s14], $0x40, s30, s14, $0xb8;
	[tilespmem:$0x15000] =	vst v63  }
0x33: {  	_ =	swait.ge [sflag:s20], $0x2000  }
0x34: {  	[sflag:s20] =	ssyncset.done $0x0  }
0x35: {  	s31 =	simm.s32 $0x2900;
	[sflag:s20] =	ssyncadd.s32 $0xFFFFE000  }
0x36: {  	[spmem:s2] =	stream.indirect.scatter.add.f32 [tilespmem:s17], [sflag:$0x4], $0x40, s31, s14, $0xb8;
	[tilespmem:$0x15000] =	vst v63  }
0x37: {  	_ =	swait.ge [sflag:s10], $0x2000  }
0x38: {  	s25 =	simm.s32 $0xC00;
	s24 =	simm.s32 $0x180;
	[sflag:s10] =	ssyncset.done $0x0  }
.LBB2_2:
0x39: {  	s26 =	sadd.s32 $0x100, s24  }
0x3a: {  	[sflag:s10] =	ssyncadd.s32 $0xFFFFE000;
	s28 =	smov.u32 s25;
	s29 =	sadd.s32 $0x600, s25  }
0x3b: {  	[tilespmem:s17], [sflag:$0x3] =	stream.indirect.gather [hbm4b:s4+s14], $0x40, s26, s14, $0xb8;
	[tilespmem:$0x15000] =	vst v63  }
0x3c: {  	p0 =	sne.s32 s25, $0x9600;
	_ =	swait.ge [sflag:s18], $0x2000  }
0x3d: {  	[sflag:s18] =	ssyncset.done $0x0  }
0x3e: {  	s25 =	sadd.s32 $0x2800, s24;
	[sflag:s18] =	ssyncadd.s32 $0xFFFFE000  }
0x3f: {  	[spmem:s2] =	stream.indirect.scatter.add.f32 [tilespmem:s15], [sflag:$0x4], $0x40, s25, s14, $0xb8;
	[tilespmem:$0x15000] =	vst v63  }
0x40: {  	_ =	swait.ge [sflag:s10], $0x2000  }
0x41: {  	[sflag:s10] =	ssyncset.done $0x0  }
0x42: {  	s25 =	sadd.s32 $0x180, s24;
	[sflag:s10] =	ssyncadd.s32 $0xFFFFE000  }
0x43: {  	[tilespmem:s15], [sflag:$0x1] =	stream.indirect.gather [hbm4b:s4+s14], $0x40, s25, s14, $0xb8;
	[tilespmem:$0x15000] =	vst v63  }
0x44: {  	_ =	swait.ge [sflag:s19], $0x2000  }
0x45: {  	[sflag:s19] =	ssyncset.done $0x0  }
0x46: {  	s25 =	sadd.s32 $0x2880, s24;
	[sflag:s19] =	ssyncadd.s32 $0xFFFFE000  }
0x47: {  	[spmem:s2] =	stream.indirect.scatter.add.f32 [tilespmem:s16], [sflag:$0x4], $0x40, s25, s14, $0xb8;
	[tilespmem:$0x15000] =	vst v63  }
0x48: {  	_ =	swait.ge [sflag:s10], $0x2000  }
0x49: {  	[sflag:s10] =	ssyncset.done $0x0  }
0x4a: {  	s25 =	sadd.s32 $0x200, s24;
	[sflag:s10] =	ssyncadd.s32 $0xFFFFE000  }
0x4b: {  	[tilespmem:s16], [sflag:$0x2] =	stream.indirect.gather [hbm4b:s4+s14], $0x40, s25, s14, $0xb8;
	[tilespmem:$0x15000] =	vst v63  }
0x4c: {  	_ =	swait.ge [sflag:s20], $0x2000  }
.Ltmp0:
0x4d: {  	[sflag:s20] =	ssyncset.done $0x0;
	(pc) =	sbr.rel @p0 .LBB2_2-.Ltmp0, $4  }
0x4e: {  	s24 =	sadd.s32 $0x2900, s24;
	[sflag:s20] =	ssyncadd.s32 $0xFFFFE000  }
0x4f: {  	[spmem:s2] =	stream.indirect.scatter.add.f32 [tilespmem:s17], [sflag:$0x4], $0x40, s24, s14, $0xb8;
	[tilespmem:$0x15000] =	vst v63  }
0x50: {  	_ =	swait.ge [sflag:s10], $0x2000  }
0x51: {  	s25 =	smov.u32 s29;
	s24 =	sshra.s32 s28, $0x2;
	[sflag:s10] =	ssyncset.done $0x0  }
0x52: {  	s25 =	sadd.s32 $0x100, s24;
	[sflag:s10] =	ssyncadd.s32 $0xFFFFE000  }
0x53: {  	[tilespmem:s17], [sflag:$0x3] =	stream.indirect.gather [hbm4b:s4+s14], $0x40, s25, s14, $0xb8;
	[tilespmem:$0x15000] =	vst v63  }
0x54: {  	_ =	swait.ge [sflag:s18], $0x2000  }
0x55: {  	[sflag:s18] =	ssyncset.done $0x0  }
0x56: {  	s26 =	sadd.s32 $0x2800, s24;
	[sflag:s18] =	ssyncadd.s32 $0xFFFFE000  }
0x57: {  	[spmem:s2] =	stream.indirect.scatter.add.f32 [tilespmem:s15], [sflag:$0x4], $0x40, s26, s14, $0xb8;
	[tilespmem:$0x15000] =	vst v63  }
0x58: {  	_ =	swait.ge [sflag:s10], $0x2000  }
0x59: {  	[sflag:s10] =	ssyncset.done $0x0  }
0x5a: {  	s28 =	sadd.s32 $0x180, s24;
	[sflag:s10] =	ssyncadd.s32 $0xFFFFE000  }
0x5b: {  	[tilespmem:s15], [sflag:$0x1] =	stream.indirect.gather [hbm4b:s4+s14], $0x40, s28, s14, $0xb8;
	[tilespmem:$0x15000] =	vst v63  }
0x5c: {  	_ =	swait.ge [sflag:s19], $0x2000  }
0x5d: {  	[sflag:s19] =	ssyncset.done $0x0  }
0x5e: {  	s29 =	sadd.s32 $0x2880, s24;
	[sflag:s19] =	ssyncadd.s32 $0xFFFFE000  }
0x5f: {  	[spmem:s2] =	stream.indirect.scatter.add.f32 [tilespmem:s16], [sflag:$0x4], $0x40, s29, s14, $0xb8;
	[tilespmem:$0x15000] =	vst v63  }
0x60: {  	_ =	swait.ge [sflag:s10], $0x2000  }
0x61: {  	[sflag:s10] =	ssyncset.done $0x0  }
0x62: {  	s30 =	sadd.s32 $0x200, s24;
	[sflag:s10] =	ssyncadd.s32 $0xFFFFE000  }
0x63: {  	[tilespmem:s16], [sflag:$0x2] =	stream.indirect.gather [hbm4b:s4+s14], $0x40, s30, s14, $0xb8;
	[tilespmem:$0x15000] =	vst v63  }
0x64: {  	_ =	swait.ge [sflag:s20], $0x2000  }
0x65: {  	[sflag:s20] =	ssyncset.done $0x0  }
0x66: {  	s31 =	sadd.s32 $0x2900, s24;
	[sflag:s20] =	ssyncadd.s32 $0xFFFFE000  }
0x67: {  	[spmem:s2] =	stream.indirect.scatter.add.f32 [tilespmem:s17], [sflag:$0x4], $0x40, s31, s14, $0xb8;
	[tilespmem:$0x15000] =	vst v63  }
0x68: {  	_ =	swait.ge [sflag:s10], $0x2000  }
0x69: {  	[sflag:s10] =	ssyncset.done $0x0  }
0x6a: {  	[sflag:s10] =	ssyncadd.s32 $0xFFFFE000  }
0x6b: {  	_ =	swait.ge [sflag:s18], $0x2000  }
0x6c: {  	[sflag:s18] =	ssyncset.done $0x0  }
0x6d: {  	[sflag:s18] =	ssyncadd.s32 $0xFFFFE000  }
0x6e: {  	[spmem:s2] =	stream.indirect.scatter.add.f32 [tilespmem:s15], [sflag:$0x4], $0x40, s21, s14, $0xb8;
	[tilespmem:$0x15000] =	vst v63  }
0x6f: {  	_ =	swait.ge [sflag:s10], $0x2000  }
0x70: {  	[sflag:s10] =	ssyncset.done $0x0  }
0x71: {  	[sflag:s10] =	ssyncadd.s32 $0xFFFFE000  }
0x72: {  	_ =	swait.ge [sflag:s19], $0x2000  }
0x73: {  	[sflag:s19] =	ssyncset.done $0x0  }
0x74: {  	[sflag:s19] =	ssyncadd.s32 $0xFFFFE000  }
0x75: {  	[spmem:s2] =	stream.indirect.scatter.add.f32 [tilespmem:s16], [sflag:$0x4], $0x40, s22, s14, $0xb8;
	[tilespmem:$0x15000] =	vst v63  }
0x76: {  	_ =	swait.ge [sflag:s10], $0x2000  }
0x77: {  	s23 =	sadd.s32 $0x1, s23;
	[sflag:s10] =	ssyncset.done $0x0  }
0x78: {  	p0 =	sne.s32 s23, s9;
	[sflag:s10] =	ssyncadd.s32 $0xFFFFE000  }
.Ltmp1:
0x79: {  	[bflag:$0x0] =	sbarrier.arrive $0xFFFF;
	(pc) =	sbr.rel @p0 .LBB2_1-.Ltmp1, $4  }
0x7a: {  	[hbm:s8], [sflag:s12] =	dma.local [spmem:s13], $0x1400  }
0x7b: {  	_ =	swait.ge [sflag:s10], $0x1400  }
0x7c: {  	[sflag:s10] =	ssyncset.done $0x0  }
0x7d: {  	[sflag:s10] =	ssyncadd.s32 $0xFFFFEC00  }
0x7e: {  	_ =	sfence.sel $0x180000  }
0x7f: {  	[bflag:$0x0] =	sbarrier.arrive $0xFFFF  }
0x80: {  	p0 =	sne.s32 s0, $0x0;
	_ =	strace $0x9000004D  }
0x81: {  	s0 =	sadd.s32 @!p0 $0x100000, s1;
	[bflag:$0x2] =	sbarrier.arrive $0xFFFF  }
0x82: {  	[sflag:s0] =	ssyncadd.tile.s32 @!p0 $0x1;
	_ =	shalt  }
.Lfunc_end2:
_tile_overlayer_lowered:
.L_overlay_start_2:
0x83: {  	(tag) =	ssettag $0x2  }
0x84: {  	s0 =	rddreg [dreg:$0x0];
	s2 =	stileid.u32  }
0x85: {  	s1 =	rddreg [dreg:$0x1];
	p0 =	sne.s32 s2, $0x0  }
0x86: {  	s3 =	rddreg [dreg:$0x2];
	[bflag:$0x3] =	sbarrier.arrive $0xFFFF;
	s2 =	simm.s32 @!p0 $0x1C04  }
0x87: {  	[timem:s3], [sflag:s2] =	dma.local @!p0 [hbm:s0], s1  }
0x88: {  	s0 =	simm.s32 @!p0 $0x4  }
0x89: {  	_ =	swait.ge @!p0 [sflag:s0], s1  }
0x8a: {  	s1 =	ssub.s32 @!p0 $0x0, s1;
	[sflag:s0] =	ssyncset.done @!p0 $0x0  }
0x8b: {  	[sflag:s0] =	ssyncadd.s32 @!p0 s1  }
0x8c: {  	[bflag:$0x3] =	sbarrier.arrive $0xFFFF  }
0x8d: {  	_ =	shalt  }

// kernel: kernel.9.cloned.1.call-start
scs
__scs_entry_jumppad:
0x0: {  	(pc) =	sbr.rel $0x88, $3  }
0x1: {  	(tag) =	ssettag $0x0;
	lr =	simm.s32 $0x1  }
0x2: {  	[smem:$0x3F99] =	sst lr;
	_ =	strace $0xD0000000  }
0x3: {  	_ = 	snop  }
0x4: {  	_ = 	snop  }
0x5: {  	_ = 	snop  }
0x6: {  	_ = 	snop  }
0x7: {  	_ = 	snop  }
__scs_overlays_trampoline_lowered:
0x8: {  	[smem:$0x3FA8] =	sst s0  }
0x9: {  	[smem:$0x3FA9] =	sst s1  }
0xa: {  	[smem:$0x3FAA] =	sst s2  }
0xb: {  	[smem:$0x3FAB] =	sst s3  }
0xc: {  	[smem:$0x3FAC] =	sst s4  }
0xd: {  	[smem:$0x3FAD] =	sst s5  }
0xe: {  	[smem:$0x3FAE] =	sst s6  }
0xf: {  	[smem:$0x3FAF] =	sst s7  }
0x10: {  	[smem:$0x3FB0] =	sst s8  }
0x11: {  	[smem:$0x3FB1] =	sst s9;
	s0 =	simm.s32 @!p0 $0x0  }
0x12: {  	s1 =	sld [smem:$0x3F97];
	s0 =	simm.s32 @p0 $0x1  }
0x13: {  	[smem:$0x3FB2] =	sst s0;
	s0 =	simm.s32 @!p1 $0x0  }
0x14: {  	s2 =	sld [smem:$0x3F96];
	s0 =	simm.s32 @p1 $0x1  }
0x15: {  	[smem:$0x3FB3] =	sst s0;
	s0 =	simm.s32 @!p2 $0x0  }
0x16: {  	s3 =	sld [smem:$0x3FDB];
	s0 =	simm.s32 @p2 $0x1  }
0x17: {  	s4 =	simm.s32 $0x1BF5;
	[smem:$0x3FB5] =	sst s0  }
0x18: {  	s0 =	sld [smem:$0x3F98];
	_ =	swait.ge [sflag:s4], $0x0  }
0x19: {  	s7 =	sld [smem:$0x3F99]  }
0x1a: {  	s8 =	sadd.s32 $0xFFFFE003, lr  }
0x1b: {  	s9 =	sadd.s32 $0xFFFFFEF7, lr;
	s5 =	simm.s32 $0xFFFFFFFF;
	p2 =	slt.u32 s8, $0xFFFFF086  }
0x1c: {  	p1 =	slt.u32 s9, $0xF7A;
	s5 =	simm.s32 @!p2 $0x0  }
0x1d: {  	s5 =	simm.s32 @p1 $0x1;
	p0 =	seq.s32 s7, s2  }
0x1e: {  	s7 =	smul.u32 @!p0 $0xF7A, s2;
	p2 =	seq.s32 @!p0 s5, $0x0  }
0x1f: {  	s9 =	smul.u32 $0xF7A, s1;
	s8 =	simm.s32 @!p0 $0x1BF5;
	p2 =	por !p2, p0  }
0x20: {  	[sflag:s8] =	ssyncset.s32 @!p0 $0xFFFFF086;
	s6 =	sadd.s32 @!p0 s3, s7;
	s7 =	simm.s32 @!p0 $0x108  }
0x21: {  	s3 =	sadd.s32 s3, s9;
	s6 =	sadd.s32 @!p0 $0x88, s6;
	s7 =	simm.s32 @p2 $0x1082  }
0x22: {  	[simem:s7], [sflag:s8] =	dma.local @!p0 [hbm:s6], $0xF7A  }
0x23: {  	s9 =	sor.u32 $0xD0000000, s2;
	s6 =	simm.s32 $0x108;
	_ =	swait.ge @!p0 [sflag:s8], $0x0  }
0x24: {  	s3 =	sadd.s32 $0x88, s3;
	s6 =	simm.s32 @!p1 $0x1082;
	[sflag:s4] =	ssyncset.s32 $0xFFFFF086  }
0x25: {  	[simem:s6], [sflag:s4] =	dma.local [hbm:s3], $0xF7A  }
0x26: {  	[smem:$0x3F99] =	sst s1;
	(tag) =	ssettag s2;
	_ =	strace s9  }
0x27: {  	s1 =	sld [smem:$0x3FA9]  }
0x28: {  	s2 =	sld [smem:$0x3FAA]  }
0x29: {  	s4 =	sld [smem:$0x3FAC]  }
0x2a: {  	p0 =	seq.s32 s5, $0x0;
	s5 =	sld [smem:$0x3FAD]  }
0x2b: {  	s6 =	sld [smem:$0x3FAE]  }
0x2c: {  	s7 =	sld [smem:$0x3FAF]  }
0x2d: {  	s3 =	simm.s32 $0x108;
	s8 =	sld [smem:$0x3FB0]  }
0x2e: {  	s3 =	simm.s32 @!p0 $0x1082;
	s9 =	sld [smem:$0x3FB1]  }
0x2f: {  	lr =	sadd.s32 s0, s3;
	s0 =	sld [smem:$0x3FA8]  }
0x30: {  	s3 =	sld [smem:$0x3FAB]  }
0x31: {  	[smem:$0x3FB4] =	sst s10  }
0x32: {  	s10 =	sld [smem:$0x3FB2];
	_ =	sdelay $0x3  }
0x33: {  	p0 =	seq.s32 s10, $0x1;
	s10 =	sld [smem:$0x3FB4];
	_ =	sdelay $0x3  }
0x34: {  	[smem:$0x3FB4] =	sst s10  }
0x35: {  	s10 =	sld [smem:$0x3FB3];
	_ =	sdelay $0x3  }
0x36: {  	p1 =	seq.s32 s10, $0x1;
	s10 =	sld [smem:$0x3FB4];
	_ =	sdelay $0x3  }
0x37: {  	[smem:$0x3FB4] =	sst s10  }
0x38: {  	s10 =	sld [smem:$0x3FB5]  }
0x39: {  	_ = 	snop;
	(pc) =	sbr.ind lr, $3  }
0x3a: {  	_ = 	snop  }
0x3b: {  	_ = 	snop  }
0x3c: {  	p2 =	seq.s32 s10, $0x1;
	s10 =	sld [smem:$0x3FB4]  }
0x3d: {  	_ =	shalt  }
0x3e: {  	_ =	shalt  }
0x3f: {  	_ =	shalt  }
0x40: {  	_ =	shalt  }
0x41: {  	_ =	shalt  }
0x42: {  	_ =	shalt  }
0x43: {  	_ =	shalt  }
0x44: {  	_ =	shalt  }
0x45: {  	_ =	shalt  }
0x46: {  	_ =	shalt  }
0x47: {  	_ =	shalt  }
0x48: {  	_ =	shalt  }
0x49: {  	_ =	shalt  }
0x4a: {  	_ =	shalt  }
0x4b: {  	_ =	shalt  }
0x4c: {  	_ =	shalt  }
0x4d: {  	_ =	shalt  }
0x4e: {  	_ =	shalt  }
0x4f: {  	_ =	shalt  }
0x50: {  	_ =	shalt  }
0x51: {  	_ =	shalt  }
0x52: {  	_ =	shalt  }
0x53: {  	_ =	shalt  }
0x54: {  	_ =	shalt  }
0x55: {  	_ =	shalt  }
0x56: {  	_ =	shalt  }
0x57: {  	_ =	shalt  }
0x58: {  	_ =	shalt  }
0x59: {  	_ =	shalt  }
0x5a: {  	_ =	shalt  }
0x5b: {  	_ =	shalt  }
0x5c: {  	_ =	shalt  }
0x5d: {  	_ =	shalt  }
0x5e: {  	_ =	shalt  }
0x5f: {  	_ =	shalt  }
0x60: {  	_ =	shalt  }
0x61: {  	_ =	shalt  }
0x62: {  	_ =	shalt  }
0x63: {  	_ =	shalt  }
0x64: {  	_ =	shalt  }
0x65: {  	_ =	shalt  }
0x66: {  	_ =	shalt  }
0x67: {  	_ =	shalt  }
0x68: {  	_ =	shalt  }
0x69: {  	_ =	shalt  }
0x6a: {  	_ =	shalt  }
0x6b: {  	_ =	shalt  }
0x6c: {  	_ =	shalt  }
0x6d: {  	_ =	shalt  }
0x6e: {  	_ =	shalt  }
0x6f: {  	_ =	shalt  }
0x70: {  	_ =	shalt  }
0x71: {  	_ =	shalt  }
0x72: {  	_ =	shalt  }
0x73: {  	_ =	shalt  }
0x74: {  	_ =	shalt  }
0x75: {  	_ =	shalt  }
0x76: {  	_ =	shalt  }
0x77: {  	_ =	shalt  }
0x78: {  	_ =	shalt  }
0x79: {  	_ =	shalt  }
0x7a: {  	_ =	shalt  }
0x7b: {  	_ =	shalt  }
0x7c: {  	_ =	shalt  }
0x7d: {  	_ =	shalt  }
0x7e: {  	_ =	shalt  }
0x7f: {  	_ =	shalt  }
0x80: {  	_ =	shalt  }
0x81: {  	_ =	shalt  }
0x82: {  	_ =	shalt  }
0x83: {  	_ =	shalt  }
0x84: {  	_ =	shalt  }
0x85: {  	_ =	shalt  }
0x86: {  	_ =	shalt  }
0x87: {  	_ =	shalt  }
.Lfunc_end0:
.L_simem_size_0:
called_computation_lowered:
.L_overlay_start_0:
0x88: {  	s2 =	sld [smem:$0x3FD9]  }
0x89: {  	s3 =	sld [smem:$0x3FFE];
	_ =	sdelay $0x1  }
0x8a: {  	s1 =	srdreg.scid  }
0x8b: {  	s0 =	sand.u32 $0x1, s1  }
0x8c: {  	s17 =	sshll.u32 s0, $0xA;
	s2 =	sadd.s32 s3, s2  }
0x8d: {  	s2 =	sadd.s32 s2, s17  }
0x8e: {  	[smem:$0x3FC0] =	sst s2  }
0x8f: {  	_ = 	snop  }
0x90: {  	s2 =	sld [smem:$0x3FD0];
	(tm) =	ssettm $0x1  }
0x91: {  	s18 =	sld [smem:$0x3FFB];
	_ =	sdelay $0x3  }
0x92: {  	_ =	strace s18  }
0x93: {  	s3 =	sld [smem:$0x3FFC];
	_ =	sdelay $0x3  }
0x94: {  	_ =	strace s3  }
0x95: {  	s3 =	sld [smem:$0x3FFD];
	_ =	sdelay $0x3  }
0x96: {  	_ =	strace s3  }
0x97: {  	_ =	strace $0x8FFFFFFF  }
0x98: {  	s19 =	sld [smem:$0x3FDB];
	_ =	sdelay $0x1  }
0x99: {  	s4 =	simm.s32 $_scs_section_size  }
0x9a: {  	s5 =	simm.s32 $_size__tile_overlayer_lowered;
	s6 =	simm.s32 $_tile_overlayer_lowered  }
0x9b: {  	s22 =	simm.s32 $0x1BFF;
	s21 =	sshll.u32 s6, $0x1;
	s3 =	sadd.s32 s4, s19  }
0x9c: {  	s7 =	simm.s32 $0x0;
	s20 =	sshll.u32 s5, $0x1;
	s5 =	sadd.s32 s21, s3  }
0x9d: {  	[timem:s7], [sflag:s22] =	dma.local [hbm:s5], s20  }
0x9e: {  	_ =	swait.ge [sflag:s22], s20  }
0x9f: {  	s4 =	ssub.s32 $0x0, s20;
	[sflag:s22] =	ssyncset.done $0x0  }
0xa0: {  	[sflag:s22] =	ssyncadd.s32 s4;
	_ =	sdelay $0x1  }
0xa1: {  	s23 =	simm.s32 $0x1B8B  }
0xa2: {  	_ =	swait.ge [sflag:s23], $0x1  }
0xa3: {  	[sflag:s23] =	ssyncset.done $0x0  }
0xa4: {  	s25 =	simm.s32 $0x1B8E;
	s24 =	sld [smem:$0x3FFE];
	[sflag:s23] =	ssyncadd.s32 $0xFFFFFFFF  }
0xa5: {  	s26 =	simm.s32 $execute0_lowered;
	[smem:$0x3FD2] =	sst s25  }
0xa6: {  	s5 =	sshll.u32 s26, $0x1;
	_ =	strace $0x80000046;
	[dreg:$0x1] =	wrdreg $0xFFFFFFFF  }
0xa7: {  	s28 =	simm.s32 $_size_execute0_lowered;
	s3 =	sadd.s32 s3, s5;
	[dreg:$0x0] =	wrdreg $0x0  }
0xa8: {  	s5 =	sshll.u32 s28, $0x1;
	[dreg:$0x2] =	wrdreg s3  }
0xa9: {  	[dreg:$0x3] =	wrdreg s5  }
0xaa: {  	[dreg:$0x4] =	wrdreg $0xC0  }
0xab: {  	_ =	task [dreg:s7], $0x5FFFF  }
0xac: {  	[dreg:$0x1] =	wrdreg $0xFFFFFFFF  }
0xad: {  	[dreg:$0x0] =	wrdreg $0x60  }
0xae: {  	[dreg:$0x2] =	wrdreg s24  }
0xaf: {  	[dreg:$0x3] =	wrdreg s2  }
0xb0: {  	[dreg:$0x4] =	wrdreg $0x30000  }
0xb1: {  	[dreg:$0x5] =	wrdreg $0x9  }
0xb2: {  	_ =	task.clear_ibuf [dreg:s7], $0x6FFFF;
	_ =	strace $0x90000046  }
0xb3: {  	s29 =	simm.s32 $0x9;
	_ =	strace $0x80000048  }
0xb4: {  	_ =	swait.ge [sflag:s29], $0x1  }
0xb5: {  	[sflag:s29] =	ssyncadd.s32 $0xFFFFFFFF  }
0xb6: {  	_ =	strace $0x90000048  }
0xb7: {  	_ =	sfence  }
0xb8: {  	s30 =	sld [smem:$0x0];
	_ =	sdelay $0x2  }
0xb9: {  	s31 =	sshll.u32 s1, $0xD;
	s1 =	sshrl.u32 s1, $0x2  }
0xba: {  	s3 =	sand.u32 $0x4000, s31;
	s1 =	sadd.s32 s1, s30  }
0xbb: {  	s0 =	sor.u32 s3, s0;
	s1 =	sshll.u32 s1, $0x11  }
0xbc: {  	s0 =	sor.u32 s1, s0  }
0xbd: {  	s0 =	sadd.s32 $0x8F2B, s0  }
0xbe: {  	[sflag:s0] =	ssyncadd.remote.s32 $0x1  }
0xbf: {  	_ =	sfence.sel $0xFFFF  }
0xc0: {  	[dreg:$0x0] =	wrdreg $0xFFFFFFFF;
	(pc) =	sbr.abs _section_cstart, $3  }
0xc1: {  	[dreg:$0x1] =	wrdreg $0xFFFFFFFF  }
0xc2: {  	_ =	task.clear_ibuf [dreg:s7], $0x2FFFF;
	_ =	strace $0x9FFFFFFF  }
0xc3: {  	(tm) =	ssettm $0x7FFFFFFF  }
tec
execute0_lowered:
.L_overlay_start_1:
0x0: {  	(tag) =	ssettag $0x1  }
0x1: {  	s5 =	rddreg [dreg:$0x0]  }
0x2: {  	s0 =	srdreg.scid;
	s6 =	rddreg [dreg:$0x1]  }
0x3: {  	s2 =	rddreg [dreg:$0x2];
	s3 =	simm.s32 $0x0;
	s13 =	simm.s32 $0x80  }
0x4: {  	s14 =	simm.s32 $0x0;
	s4 =	sand.u32 $0x1, s0;
	s0 =	stileid.u32  }
0x5: {  	[smem:$0x7FF] =	sst s3;
	s1 =	sshll.u32 s4, $0x4;
	s8 =	smul.u32 $0x2800, s0  }
0x6: {  	s9 =	smul.u32 $0x28000, s4;
	s10 =	ssub.s32 $0x2, s4;
	s4 =	sadd.s32 $0x15A00, s5  }
0x7: {  	s31 =	sshll.u32 s0, $0x6;
	s1 =	sor.u32 s0, s1;
	s11 =	sshrl.u32 s10, $0x1  }
0x8: {  	s7 =	smul.u32 $0x500, s1;
	s1 =	rddreg [dreg:$0x3];
	_ =	strace $0x80000047  }
0x9: {  	s9 =	sadd.s32 s8, s9;
	s10 =	ssub.s32 s10, s11;
	s30 =	sshrl.u32 s8, $0x3  }
0xa: {  	s12 =	sadd.s32 s8, s2;
	s11 =	sor.u32 $0x1C01, s31;
	s9 =	sshrl.u32 s9, $0x3  }
0xb: {  	s6 =	sadd.s32 s6, s30;
	s8 =	smax.u32 s10, $0x1;
	s10 =	simm.s32 $0x2800  }
0xc: {  	s12 =	sshrl.u32 s12, $0x3;
	s7 =	sadd.s32 s7, s5;
	s9 =	sadd.s32 s9, s5  }
0xd: {  	s5 =	sadd.s32 $0x1A00, s7;
	s7 =	sadd.s32 $0x15C00, s9;
	s9 =	simm.s32 $0x1  }
.LBB2_1:
0xe: {  	[tilespmem:s3], [sflag:$0x1] =	stream.linear.gather [hbm4b:s5+s3], $0x2800, $0x38;
	[tilespmem:$0x5800] =	vst v63  }
0xf: {  	_ =	swait.ge [sflag:s9], $0x2800  }
0x10: {  	[sflag:s9] =	ssyncset.done $0x0  }
0x11: {  	[sflag:s9] =	ssyncadd.s32 $0xFFFFD800  }
0x12: {  	[tilespmem:s10], [sflag:$0x1] =	stream.linear.gather [hbm4b:s4+s3], $0x800, $0x38;
	[tilespmem:$0x5800] =	vst v63  }
0x13: {  	_ =	swait.ge [sflag:s9], $0x800  }
0x14: {  	[sflag:s9] =	ssyncset.done $0x0  }
0x15: {  	[sflag:s9] =	ssyncadd.s32 $0xFFFFF800  }
0x16: {  	[spmem:s12], [sflag:s11] =	dma.local [hbm:s6], $0x500  }
0x17: {  	_ =	swait.ge [sflag:s9], $0x500  }
0x18: {  	[sflag:s9] =	ssyncset.done $0x0  }
0x19: {  	[sflag:s9] =	ssyncadd.s32 $0xFFFFFB00  }
0x1a: {  	s15 =	simm.s32 $0x0;
	[bflag:$0x0] =	sbarrier.arrive $0xFFFF  }
0x1b: {  	[spmem:s2] =	stream.indirect.scatter.add.f32 [tilespmem:s10], [sflag:$0x1], $0x10, s15, s13, $0xb8;
	[tilespmem:$0x5800] =	vst v63  }
0x1c: {  	_ =	swait.ge [sflag:s9], $0x800  }
0x1d: {  	s15 =	simm.s32 $0x200;
	[sflag:s9] =	ssyncset.done $0x0  }
.LBB2_2:
0x1e: {  	s16 =	sshra.s32 s15, $0x2;
	[sflag:s9] =	ssyncadd.s32 $0xFFFFF800;
	p0 =	sne.s32 s15, $0x9E00  }
0x1f: {  	[spmem:s2] =	stream.indirect.scatter.add.f32 [tilespmem:s10], [sflag:$0x1], $0x10, s16, s13, $0xb8;
	[tilespmem:$0x5800] =	vst v63  }
.Ltmp0:
0x20: {  	_ = 	snop;
	(pc) =	sbr.rel @p0 .LBB2_2-.Ltmp0, $4  }
0x21: {  	_ = 	snop  }
0x22: {  	s15 =	sadd.s32 $0x200, s15  }
0x23: {  	_ =	swait.ge [sflag:s9], $0x800  }
0x24: {  	[sflag:s9] =	ssyncset.done $0x0  }
0x25: {  	s14 =	sadd.s32 $0x1, s14  }
0x26: {  	[sflag:s9] =	ssyncadd.s32 $0xFFFFF800;
	p0 =	sne.s32 s14, s8  }
.Ltmp1:
0x27: {  	[bflag:$0x0] =	sbarrier.arrive $0xFFFF;
	(pc) =	sbr.rel @p0 .LBB2_1-.Ltmp1, $4  }
0x28: {  	[hbm:s7], [sflag:s11] =	dma.local [spmem:s12], $0x500  }
0x29: {  	_ =	swait.ge [sflag:s9], $0x500  }
0x2a: {  	[sflag:s9] =	ssyncset.done $0x0  }
0x2b: {  	[sflag:s9] =	ssyncadd.s32 $0xFFFFFB00  }
0x2c: {  	_ =	sfence.sel $0x180000  }
0x2d: {  	[bflag:$0x0] =	sbarrier.arrive $0xFFFF  }
0x2e: {  	p0 =	sne.s32 s0, $0x0;
	_ =	strace $0x90000047  }
0x2f: {  	s0 =	sadd.s32 @!p0 $0x100000, s1;
	[bflag:$0x2] =	sbarrier.arrive $0xFFFF  }
0x30: {  	[sflag:s0] =	ssyncadd.tile.s32 @!p0 $0x1;
	_ =	shalt  }
.Lfunc_end2:
_tile_overlayer_lowered:
.L_overlay_start_2:
0x31: {  	(tag) =	ssettag $0x2  }
0x32: {  	s0 =	rddreg [dreg:$0x0];
	s2 =	stileid.u32  }
0x33: {  	s1 =	rddreg [dreg:$0x1];
	p0 =	sne.s32 s2, $0x0  }
0x34: {  	s3 =	rddreg [dreg:$0x2];
	[bflag:$0x3] =	sbarrier.arrive $0xFFFF;
	s2 =	simm.s32 @!p0 $0x1C01  }
0x35: {  	[timem:s3], [sflag:s2] =	dma.local @!p0 [hbm:s0], s1  }
0x36: {  	s0 =	simm.s32 @!p0 $0x1  }
0x37: {  	_ =	swait.ge @!p0 [sflag:s0], s1  }
0x38: {  	s1 =	ssub.s32 @!p0 $0x0, s1;
	[sflag:s0] =	ssyncset.done @!p0 $0x0  }
0x39: {  	[sflag:s0] =	ssyncadd.s32 @!p0 s1  }
0x3a: {  	[bflag:$0x3] =	sbarrier.arrive $0xFFFF  }
0x3b: {  	_ =	shalt  }

</sc_bundles>
